<compile_context>
chip_gen: v7x
topology: tpu7x:2x2x1
jax: 0.10.2.dev20260603
libtpu: 0.0.44.dev20260713+nightly
codegen_flags: <defaults>
</compile_context>

<pallas_src>
import jax
import jax.numpy as jnp
from jax import lax
from jax.experimental import pallas as pl
from jax.experimental.pallas import tpu as pltpu
from jax.experimental.pallas import tpu_sc as plsc

N_CAT = 26
B = 1024
S = 50
V = 100001
VP = 100000
D = 32

NC = 2
NS = 16
NW = NC * NS
BS = B * S
P_W = BS // NW
SUB = 80
NSUB = P_W // SUB
B_W = B // NW
NROW = 13
P_PAD = NROW * 128


def _emb_kernel(cat2, tables3, bias2, out3, idx1d, rows, bias_v, gsem, ssem,
                isem):
    w = lax.axis_index("s") * NC + lax.axis_index("c")

    def fire_idx(f, slot):
        rowbase = (w * N_CAT + f) * NROW
        def cp(r, c):
            pltpu.async_copy(
                cat2.at[rowbase + r],
                idx1d.at[slot, pl.ds(r * 128, 128)],
                isem,
            )
            return c
        lax.fori_loop(0, NROW, cp, 0)

    def drain_idx(slot):
        def dr(r, c):
            pltpu.make_async_copy(
                cat2.at[0], idx1d.at[slot, pl.ds(r * 128, 128)], isem
            ).wait()
            return c
        lax.fori_loop(0, NROW, dr, 0)

    def fire_gathers(slot):
        def g(j, c):
            pltpu.async_copy(
                tables3.at[idx1d.at[slot, pl.ds(j * SUB, SUB)]],
                rows.at[slot, pl.ds(j * SUB, SUB)],
                gsem,
            )
            return c
        lax.fori_loop(0, NSUB, g, 0)

    def drain_gathers(slot):
        pltpu.make_async_copy(
            tables3.at[pl.ds(0, P_W)], rows.at[slot], gsem
        ).wait()

    fire_idx(0, 0)
    drain_idx(0)
    fire_gathers(0)
    fire_idx(1, 1)

    def feature_step(f, c):
        slot = lax.rem(f, 2)
        nslot = lax.rem(f + 1, 2)

        @pl.when(f > 0)
        def _():
            pltpu.make_async_copy(
                tables3.at[pl.ds(0, P_W)], rows.at[nslot], ssem
            ).wait()

        @pl.when(f + 1 < N_CAT)
        def _():
            drain_idx(nslot)
            fire_gathers(nslot)

        drain_gathers(slot)

        @pl.when(f + 2 < N_CAT)
        def _():
            fire_idx(f + 2, slot)

        pltpu.sync_copy(
            bias2.at[lax.div(f, 4), pl.ds(lax.rem(f, 4) * D, D)], bias_v
        )
        b_lo = bias_v[pl.ds(0, 16)]
        b_hi = bias_v[pl.ds(16, 16)]

        def add_bias(t, c2):
            q = t * 8
            for u in range(8):
                rows[slot, q + u, pl.ds(0, 16)] += b_lo
                rows[slot, q + u, pl.ds(16, 16)] += b_hi
            return c2
        lax.fori_loop(0, P_W // 8, add_bias, 0)

        def sc(k, c2):
            pltpu.async_copy(
                rows.at[slot, pl.ds(k * S, S)],
                out3.at[w * B_W + k, pl.ds(0, S), pl.ds(f * D, D)],
                ssem,
            )
            return c2
        lax.fori_loop(0, B_W, sc, 0)
        return c

    lax.fori_loop(0, N_CAT, feature_step, 0)

    pltpu.make_async_copy(
        tables3.at[pl.ds(0, P_W)], rows.at[(N_CAT - 1) % 2], ssem
    ).wait()


@jax.jit
def kernel(cat_features, tables, bias):
    offs = (jnp.arange(N_CAT, dtype=jnp.int32) * VP)[:, None, None]
    catw = (cat_features + offs).reshape(N_CAT, NW, P_W).transpose(1, 0, 2)
    cat2 = jnp.pad(catw, ((0, 0), (0, 0), (0, P_PAD - P_W))).reshape(-1, 128)

    tables2 = tables[:, :VP, :].reshape(N_CAT * VP, D)
    bias_n = jnp.pad(bias.reshape(-1), (0, 8 * 128 - N_CAT * D))
    bias_n = bias_n.reshape(8, 128)

    mesh = plsc.VectorSubcoreMesh(core_axis_name="c", subcore_axis_name="s")
    out3 = pl.kernel(
        _emb_kernel,
        out_type=jax.ShapeDtypeStruct((B, S, N_CAT * D), jnp.float32),
        mesh=mesh,
        scratch_types=[
            pltpu.VMEM((2, P_PAD), jnp.int32),
            pltpu.VMEM((2, P_W, D), jnp.float32),
            pltpu.VMEM((D,), jnp.float32),
            pltpu.SemaphoreType.DMA,
            pltpu.SemaphoreType.DMA,
            pltpu.SemaphoreType.DMA,
        ],
        compiler_params=pltpu.CompilerParams(use_tc_tiling_on_sc=False),
    )(cat2, tables2, bias_n)
    return out3

# --- scband reference (transcript-rebuilt; emitter-appended) ---
"""Pipeline reference for scband-embedding-layer-6966436954451 (READ-ONLY COPY).

The authoritative reference and input builder live on the scoring server;
editing this copy changes nothing except your own understanding.
"""

import jax, jax.numpy as jnp
import numpy as np

N_CAT = 26   # number of categorical features
B = 1024     # batch size
S = 50       # sequence length (hist_len)
V = 100001   # cardinality 100000 + 1 (add_missing)
D = 32       # embedding dim per feature


def setup_inputs(seed: int = 0) -> dict:
    key = jax.random.key(seed)
    k1, k2, k3 = jax.random.split(key, 3)
    # categorical indices per feature: [n_cat, B, S], values in [0, 100000) < V
    cat_features = jax.random.randint(k1, (N_CAT, B, S), 0, 100000, dtype=jnp.int32)
    # per-feature embedding tables, stacked: [n_cat, V, D]
    tables = jax.random.normal(k2, (N_CAT, V, D), dtype=jnp.float32) * 0.02
    # padding_idx=0 -> zero row
    tables = tables.at[:, 0, :].set(0.0)
    # per-feature trainable bias vectors (FT-Transformer style, bias=True): [n_cat, D]
    bias = jax.random.normal(k3, (N_CAT, D), dtype=jnp.float32) * 0.02
    return {"cat_features": cat_features, "tables": tables, "bias": bias}


def reference(cat_features, tables, bias):
    # Per-feature embedding lookup: [n_cat, B, S, D]
    emb = jax.vmap(lambda t, idx: jnp.take(t, idx, axis=0))(tables, cat_features)
    # Add per-feature bias vector (broadcast over B, S)
    emb = emb + bias[:, None, None, :]
    # Concatenate per-feature embeddings along last dim -> [B, S, n_cat * D]
    out = jnp.transpose(emb, (1, 2, 0, 3)).reshape(B, S, N_CAT * D)
    # dropout p=0.0 -> identity
    return out

if __name__ == "__main__":
    import jax
    _d = setup_inputs()
    print(jax.jit(kernel)(*tuple(_d.values())))

</pallas_src>

<mosaic_0001>
#map = affine_map<(d0, d1) -> (0, 0)>
#map1 = affine_map<(d0, d1) -> (0, 0, 0)>
module attributes {stable_mosaic.version = 14 : i64} {
  func.func @_emb_kernel(%arg0: i32, %arg1: i32, %arg2: memref<10816x128xi32, #tpu.memory_space<hbm>>, %arg3: memref<2600000x32xf32, #tpu.memory_space<hbm>>, %arg4: memref<8x128xf32, #tpu.memory_space<hbm>>, %arg5: memref<1024x50x832xf32, #tpu.memory_space<hbm>>, %arg6: memref<2x1664xi32, #tpu.memory_space<vmem>>, %arg7: memref<2x1600x32xf32, #tpu.memory_space<vmem>>, %arg8: memref<32xf32, #tpu.memory_space<vmem>>, %arg9: memref<!tpu.dma_semaphore, #tpu.memory_space<semaphore_mem>>, %arg10: memref<!tpu.dma_semaphore, #tpu.memory_space<semaphore_mem>>, %arg11: memref<!tpu.dma_semaphore, #tpu.memory_space<semaphore_mem>>) attributes {dimension_semantics = [#tpu.dimension_semantics<core_parallel>, #tpu.dimension_semantics<subcore_parallel>], iteration_bounds = array<i64: 2, 16>, scalar_prefetch = 0 : i64, scratch_operands = 6 : i64, tpu.core_type = #tpu.core_type<sc_vector_subcore>, window_params = [{transform_indices = #map}, {transform_indices = #map}, {transform_indices = #map}, {transform_indices = #map1}]} {
    %mul3A = arith.constant 2 : i32
    %mul3A_0 = arith.muli %arg1, %mul3A : i32
    %add3A = arith.addi %mul3A_0, %arg0 : i32
    %mul3A_1 = arith.constant 26 : i32
    %mul3A_2 = arith.muli %add3A, %mul3A_1 : i32
    %add3A_3 = arith.constant 0 : i32
    %add3A_4 = arith.addi %mul3A_2, %add3A_3 : i32
    %mul3A_5 = arith.constant 13 : i32
    %mul3A_6 = arith.muli %add3A_4, %mul3A_5 : i32
    %scan3A = arith.constant 0 : i32
    %scan3A_7 = arith.constant 0 : i32
    %scan3A_8 = arith.constant 13 : i32
    %scan3A_9 = arith.addi %scan3A_7, %scan3A_8 : i32
    %scan3A_10 = arith.constant 1 : i32
    scf.for %scan3A_56 = %scan3A_7 to %scan3A_9 step %scan3A_10  : i32 {
      %add3A_57 = arith.addi %mul3A_6, %scan3A_56 : i32
      %mul3A_58 = arith.constant 128 : i32
      %mul3A_59 = arith.muli %scan3A_56, %mul3A_58 : i32
      %dma_start3A = arith.constant 0 : i32
      %dma_start3A_60 = tpu.memref_slice %arg6[%dma_start3A, %mul3A_59] : memref<2x1664xi32, #tpu.memory_space<vmem>> -> memref<1x128xi32, #tpu.memory_space<vmem>>
      %dma_start3A_61 = tpu.memref_squeeze %dma_start3A_60 : memref<1x128xi32, #tpu.memory_space<vmem>> -> memref<128xi32, #tpu.memory_space<vmem>>
      %dma_start3A_62 = arith.constant 0 : i32
      %dma_start3A_63 = tpu.memref_slice %arg2[%add3A_57, %dma_start3A_62] : memref<10816x128xi32, #tpu.memory_space<hbm>> -> memref<1x128xi32, #tpu.memory_space<hbm>>
      %dma_start3A_64 = tpu.memref_squeeze %dma_start3A_63 : memref<1x128xi32, #tpu.memory_space<hbm>> -> memref<128xi32, #tpu.memory_space<hbm>>
      %dma_start3A_65 = tpu.memref_slice %arg6[%dma_start3A, %mul3A_59] : memref<2x1664xi32, #tpu.memory_space<vmem>> -> memref<1x128xi32, #tpu.memory_space<vmem>>
      %dma_start3A_66 = tpu.memref_squeeze %dma_start3A_65 : memref<1x128xi32, #tpu.memory_space<vmem>> -> memref<128xi32, #tpu.memory_space<vmem>>
      %dma_start3A_67 = arith.constant 0 : i32
      %dma_start3A_68 = tpu.memref_slice %arg2[%add3A_57, %dma_start3A_67] : memref<10816x128xi32, #tpu.memory_space<hbm>> -> memref<1x128xi32, #tpu.memory_space<hbm>>
      %dma_start3A_69 = tpu.memref_squeeze %dma_start3A_68 : memref<1x128xi32, #tpu.memory_space<hbm>> -> memref<128xi32, #tpu.memory_space<hbm>>
      tpu.enqueue_dma source(%dma_start3A_69 : memref<128xi32, #tpu.memory_space<hbm>>) target(%dma_start3A_66 : memref<128xi32, #tpu.memory_space<vmem>>) target_semaphore(%arg11 : memref<!tpu.dma_semaphore, #tpu.memory_space<semaphore_mem>>)
    }
    %scan3A_11 = arith.constant 13 : i32
    %scan3A_12 = arith.constant 0 : i32
    %scan3A_13 = arith.constant 0 : i32
    %scan3A_14 = arith.constant 13 : i32
    %scan3A_15 = arith.addi %scan3A_13, %scan3A_14 : i32
    %scan3A_16 = arith.constant 1 : i32
    scf.for %scan3A_56 = %scan3A_13 to %scan3A_15 step %scan3A_16  : i32 {
      %mul3A_57 = arith.constant 128 : i32
      %mul3A_58 = arith.muli %scan3A_56, %mul3A_57 : i32
      %dma_wait3A_59 = arith.constant 0 : i32
      %dma_wait3A_60 = arith.constant 0 : i32
      %dma_wait3A_61 = tpu.memref_slice %arg6[%dma_wait3A_60, %mul3A_58] : memref<2x1664xi32, #tpu.memory_space<vmem>> -> memref<1x128xi32, #tpu.memory_space<vmem>>
      %dma_wait3A_62 = tpu.memref_squeeze %dma_wait3A_61 : memref<1x128xi32, #tpu.memory_space<vmem>> -> memref<128xi32, #tpu.memory_space<vmem>>
      %dma_wait3A_63 = arith.constant 0 : i32
      %dma_wait3A_64 = tpu.memref_slice %arg2[%dma_wait3A_59, %dma_wait3A_63] : memref<10816x128xi32, #tpu.memory_space<hbm>> -> memref<1x128xi32, #tpu.memory_space<hbm>>
      %dma_wait3A_65 = tpu.memref_squeeze %dma_wait3A_64 : memref<1x128xi32, #tpu.memory_space<hbm>> -> memref<128xi32, #tpu.memory_space<hbm>>
      %dma_wait3A_66 = tpu.memref_slice %arg6[%dma_wait3A_60, %mul3A_58] : memref<2x1664xi32, #tpu.memory_space<vmem>> -> memref<1x128xi32, #tpu.memory_space<vmem>>
      %dma_wait3A_67 = tpu.memref_squeeze %dma_wait3A_66 : memref<1x128xi32, #tpu.memory_space<vmem>> -> memref<128xi32, #tpu.memory_space<vmem>>
      %dma_wait3A_68 = arith.constant 0 : i32
      %dma_wait3A_69 = tpu.memref_slice %arg2[%dma_wait3A_59, %dma_wait3A_68] : memref<10816x128xi32, #tpu.memory_space<hbm>> -> memref<1x128xi32, #tpu.memory_space<hbm>>
      %dma_wait3A_70 = tpu.memref_squeeze %dma_wait3A_69 : memref<1x128xi32, #tpu.memory_space<hbm>> -> memref<128xi32, #tpu.memory_space<hbm>>
      tpu.wait_dma2 semaphore(%arg11 : memref<!tpu.dma_semaphore, #tpu.memory_space<semaphore_mem>>) src(%dma_wait3A_70 : memref<128xi32, #tpu.memory_space<hbm>>) dst(%dma_wait3A_67 : memref<128xi32, #tpu.memory_space<vmem>>)
    }
    %scan3A_17 = arith.constant 13 : i32
    %scan3A_18 = arith.constant 0 : i32
    %scan3A_19 = arith.constant 0 : i32
    %scan3A_20 = arith.constant 20 : i32
    %scan3A_21 = arith.addi %scan3A_19, %scan3A_20 : i32
    %scan3A_22 = arith.constant 1 : i32
    scf.for %scan3A_56 = %scan3A_19 to %scan3A_21 step %scan3A_22  : i32 {
      %mul3A_57 = arith.constant 80 : i32
      %mul3A_58 = arith.muli %scan3A_56, %mul3A_57 : i32
      %mul3A_59 = arith.constant 80 : i32
      %mul3A_60 = arith.muli %scan3A_56, %mul3A_59 : i32
      %dma_start3A = arith.constant 0 : i32
      %dma_start3A_61 = arith.constant 0 : i32
      %dma_start3A_62 = arith.constant 0 : i32
      %dma_start3A_63 = tpu.memref_slice %arg7[%dma_start3A_61, %mul3A_60, %dma_start3A_62] : memref<2x1600x32xf32, #tpu.memory_space<vmem>> -> memref<1x80x32xf32, #tpu.memory_space<vmem>>
      %dma_start3A_64 = tpu.memref_squeeze %dma_start3A_63 : memref<1x80x32xf32, #tpu.memory_space<vmem>> -> memref<80x32xf32, #tpu.memory_space<vmem>>
      %dma_start3A_65 = tpu.memref_slice %arg6[%dma_start3A, %mul3A_58] : memref<2x1664xi32, #tpu.memory_space<vmem>> -> memref<1x80xi32, #tpu.memory_space<vmem>>
      %dma_start3A_66 = tpu.memref_squeeze %dma_start3A_65 : memref<1x80xi32, #tpu.memory_space<vmem>> -> memref<80xi32, #tpu.memory_space<vmem>>
      %dma_start3A_67 = arith.constant 0 : i32
      %dma_start3A_68 = arith.constant 0 : i32
      %dma_start3A_69 = tpu.memref_slice %arg3[%dma_start3A_67, %dma_start3A_68] : memref<2600000x32xf32, #tpu.memory_space<hbm>> -> memref<2600000x32xf32, #tpu.memory_space<hbm>>
      tpu.enqueue_indirect_dma source(%dma_start3A_69 : memref<2600000x32xf32, #tpu.memory_space<hbm>>) target(%dma_start3A_64 : memref<80x32xf32, #tpu.memory_space<vmem>>) offsets(%dma_start3A_66 : memref<80xi32, #tpu.memory_space<vmem>>) semaphore(%arg9 : memref<!tpu.dma_semaphore, #tpu.memory_space<semaphore_mem>>)
    }
    %scan3A_23 = arith.constant 20 : i32
    %mul3A_24 = arith.constant 26 : i32
    %mul3A_25 = arith.muli %add3A, %mul3A_24 : i32
    %add3A_26 = arith.constant 1 : i32
    %add3A_27 = arith.addi %mul3A_25, %add3A_26 : i32
    %mul3A_28 = arith.constant 13 : i32
    %mul3A_29 = arith.muli %add3A_27, %mul3A_28 : i32
    %scan3A_30 = arith.constant 0 : i32
    %scan3A_31 = arith.constant 0 : i32
    %scan3A_32 = arith.constant 13 : i32
    %scan3A_33 = arith.addi %scan3A_31, %scan3A_32 : i32
    %scan3A_34 = arith.constant 1 : i32
    scf.for %scan3A_56 = %scan3A_31 to %scan3A_33 step %scan3A_34  : i32 {
      %add3A_57 = arith.addi %mul3A_29, %scan3A_56 : i32
      %mul3A_58 = arith.constant 128 : i32
      %mul3A_59 = arith.muli %scan3A_56, %mul3A_58 : i32
      %dma_start3A = arith.constant 1 : i32
      %dma_start3A_60 = tpu.memref_slice %arg6[%dma_start3A, %mul3A_59] : memref<2x1664xi32, #tpu.memory_space<vmem>> -> memref<1x128xi32, #tpu.memory_space<vmem>>
      %dma_start3A_61 = tpu.memref_squeeze %dma_start3A_60 : memref<1x128xi32, #tpu.memory_space<vmem>> -> memref<128xi32, #tpu.memory_space<vmem>>
      %dma_start3A_62 = arith.constant 0 : i32
      %dma_start3A_63 = tpu.memref_slice %arg2[%add3A_57, %dma_start3A_62] : memref<10816x128xi32, #tpu.memory_space<hbm>> -> memref<1x128xi32, #tpu.memory_space<hbm>>
      %dma_start3A_64 = tpu.memref_squeeze %dma_start3A_63 : memref<1x128xi32, #tpu.memory_space<hbm>> -> memref<128xi32, #tpu.memory_space<hbm>>
      %dma_start3A_65 = tpu.memref_slice %arg6[%dma_start3A, %mul3A_59] : memref<2x1664xi32, #tpu.memory_space<vmem>> -> memref<1x128xi32, #tpu.memory_space<vmem>>
      %dma_start3A_66 = tpu.memref_squeeze %dma_start3A_65 : memref<1x128xi32, #tpu.memory_space<vmem>> -> memref<128xi32, #tpu.memory_space<vmem>>
      %dma_start3A_67 = arith.constant 0 : i32
      %dma_start3A_68 = tpu.memref_slice %arg2[%add3A_57, %dma_start3A_67] : memref<10816x128xi32, #tpu.memory_space<hbm>> -> memref<1x128xi32, #tpu.memory_space<hbm>>
      %dma_start3A_69 = tpu.memref_squeeze %dma_start3A_68 : memref<1x128xi32, #tpu.memory_space<hbm>> -> memref<128xi32, #tpu.memory_space<hbm>>
      tpu.enqueue_dma source(%dma_start3A_69 : memref<128xi32, #tpu.memory_space<hbm>>) target(%dma_start3A_66 : memref<128xi32, #tpu.memory_space<vmem>>) target_semaphore(%arg11 : memref<!tpu.dma_semaphore, #tpu.memory_space<semaphore_mem>>)
    }
    %scan3A_35 = arith.constant 13 : i32
    %scan3A_36 = arith.constant 0 : i32
    %scan3A_37 = arith.constant 0 : i32
    %scan3A_38 = arith.constant 26 : i32
    %scan3A_39 = arith.addi %scan3A_37, %scan3A_38 : i32
    %scan3A_40 = arith.constant 1 : i32
    scf.for %scan3A_56 = %scan3A_37 to %scan3A_39 step %scan3A_40  : i32 {
      %rem3A = arith.constant 2 : i32
      %rem3A_57 = arith.remsi %scan3A_56, %rem3A : i32
      %add3A_58 = arith.constant 1 : i32
      %add3A_59 = arith.addi %scan3A_56, %add3A_58 : i32
      %rem3A_60 = arith.constant 2 : i32
      %rem3A_61 = arith.remsi %add3A_59, %rem3A_60 : i32
      %gt3A = arith.constant 0 : i32
      %gt3A_62 = arith.cmpi sgt, %scan3A_56, %gt3A : i32
      %convert_element_type3A = arith.extui %gt3A_62 : i1 to i32
      %cond3A = arith.constant 0 : i32
      %cond3A_63 = arith.cmpi ne, %convert_element_type3A, %cond3A : i32
      scf.if %cond3A_63 {
        %dma_wait3A_113 = arith.constant 0 : i32
        %dma_wait3A_114 = arith.constant 0 : i32
        %dma_wait3A_115 = tpu.memref_slice %arg7[%rem3A_61, %dma_wait3A_113, %dma_wait3A_114] : memref<2x1600x32xf32, #tpu.memory_space<vmem>> -> memref<1x1600x32xf32, #tpu.memory_space<vmem>>
        %dma_wait3A_116 = tpu.memref_squeeze %dma_wait3A_115 : memref<1x1600x32xf32, #tpu.memory_space<vmem>> -> memref<1600x32xf32, #tpu.memory_space<vmem>>
        %dma_wait3A_117 = arith.constant 0 : i32
        %dma_wait3A_118 = arith.constant 0 : i32
        %dma_wait3A_119 = tpu.memref_slice %arg3[%dma_wait3A_117, %dma_wait3A_118] : memref<2600000x32xf32, #tpu.memory_space<hbm>> -> memref<1600x32xf32, #tpu.memory_space<hbm>>
        %dma_wait3A_120 = arith.constant 0 : i32
        %dma_wait3A_121 = arith.constant 0 : i32
        %dma_wait3A_122 = tpu.memref_slice %arg7[%rem3A_61, %dma_wait3A_120, %dma_wait3A_121] : memref<2x1600x32xf32, #tpu.memory_space<vmem>> -> memref<1x1600x32xf32, #tpu.memory_space<vmem>>
        %dma_wait3A_123 = tpu.memref_squeeze %dma_wait3A_122 : memref<1x1600x32xf32, #tpu.memory_space<vmem>> -> memref<1600x32xf32, #tpu.memory_space<vmem>>
        %dma_wait3A_124 = arith.constant 0 : i32
        %dma_wait3A_125 = arith.constant 0 : i32
        %dma_wait3A_126 = tpu.memref_slice %arg3[%dma_wait3A_124, %dma_wait3A_125] : memref<2600000x32xf32, #tpu.memory_space<hbm>> -> memref<1600x32xf32, #tpu.memory_space<hbm>>
        tpu.wait_dma2 semaphore(%arg10 : memref<!tpu.dma_semaphore, #tpu.memory_space<semaphore_mem>>) src(%dma_wait3A_126 : memref<1600x32xf32, #tpu.memory_space<hbm>>) dst(%dma_wait3A_123 : memref<1600x32xf32, #tpu.memory_space<vmem>>)
      } else {
      }
      %add3A_64 = arith.constant 1 : i32
      %add3A_65 = arith.addi %scan3A_56, %add3A_64 : i32
      %lt3A = arith.constant 26 : i32
      %lt3A_66 = arith.cmpi slt, %add3A_65, %lt3A : i32
      %convert_element_type3A_67 = arith.extui %lt3A_66 : i1 to i32
      %cond3A_68 = arith.constant 0 : i32
      %cond3A_69 = arith.cmpi ne, %convert_element_type3A_67, %cond3A_68 : i32
      scf.if %cond3A_69 {
        %scan3A_113 = arith.constant 0 : i32
        %scan3A_114 = arith.constant 0 : i32
        %scan3A_115 = arith.constant 13 : i32
        %scan3A_116 = arith.addi %scan3A_114, %scan3A_115 : i32
        %scan3A_117 = arith.constant 1 : i32
        scf.for %scan3A_125 = %scan3A_114 to %scan3A_116 step %scan3A_117  : i32 {
          %mul3A_126 = arith.constant 128 : i32
          %mul3A_127 = arith.muli %scan3A_125, %mul3A_126 : i32
          %dma_wait3A_128 = arith.constant 0 : i32
          %dma_wait3A_129 = tpu.memref_slice %arg6[%rem3A_61, %mul3A_127] : memref<2x1664xi32, #tpu.memory_space<vmem>> -> memref<1x128xi32, #tpu.memory_space<vmem>>
          %dma_wait3A_130 = tpu.memref_squeeze %dma_wait3A_129 : memref<1x128xi32, #tpu.memory_space<vmem>> -> memref<128xi32, #tpu.memory_space<vmem>>
          %dma_wait3A_131 = arith.constant 0 : i32
          %dma_wait3A_132 = tpu.memref_slice %arg2[%dma_wait3A_128, %dma_wait3A_131] : memref<10816x128xi32, #tpu.memory_space<hbm>> -> memref<1x128xi32, #tpu.memory_space<hbm>>
          %dma_wait3A_133 = tpu.memref_squeeze %dma_wait3A_132 : memref<1x128xi32, #tpu.memory_space<hbm>> -> memref<128xi32, #tpu.memory_space<hbm>>
          %dma_wait3A_134 = tpu.memref_slice %arg6[%rem3A_61, %mul3A_127] : memref<2x1664xi32, #tpu.memory_space<vmem>> -> memref<1x128xi32, #tpu.memory_space<vmem>>
          %dma_wait3A_135 = tpu.memref_squeeze %dma_wait3A_134 : memref<1x128xi32, #tpu.memory_space<vmem>> -> memref<128xi32, #tpu.memory_space<vmem>>
          %dma_wait3A_136 = arith.constant 0 : i32
          %dma_wait3A_137 = tpu.memref_slice %arg2[%dma_wait3A_128, %dma_wait3A_136] : memref<10816x128xi32, #tpu.memory_space<hbm>> -> memref<1x128xi32, #tpu.memory_space<hbm>>
          %dma_wait3A_138 = tpu.memref_squeeze %dma_wait3A_137 : memref<1x128xi32, #tpu.memory_space<hbm>> -> memref<128xi32, #tpu.memory_space<hbm>>
          tpu.wait_dma2 semaphore(%arg11 : memref<!tpu.dma_semaphore, #tpu.memory_space<semaphore_mem>>) src(%dma_wait3A_138 : memref<128xi32, #tpu.memory_space<hbm>>) dst(%dma_wait3A_135 : memref<128xi32, #tpu.memory_space<vmem>>)
        }
        %scan3A_118 = arith.constant 13 : i32
        %scan3A_119 = arith.constant 0 : i32
        %scan3A_120 = arith.constant 0 : i32
        %scan3A_121 = arith.constant 20 : i32
        %scan3A_122 = arith.addi %scan3A_120, %scan3A_121 : i32
        %scan3A_123 = arith.constant 1 : i32
        scf.for %scan3A_125 = %scan3A_120 to %scan3A_122 step %scan3A_123  : i32 {
          %mul3A_126 = arith.constant 80 : i32
          %mul3A_127 = arith.muli %scan3A_125, %mul3A_126 : i32
          %mul3A_128 = arith.constant 80 : i32
          %mul3A_129 = arith.muli %scan3A_125, %mul3A_128 : i32
          %dma_start3A = arith.constant 0 : i32
          %dma_start3A_130 = tpu.memref_slice %arg7[%rem3A_61, %mul3A_129, %dma_start3A] : memref<2x1600x32xf32, #tpu.memory_space<vmem>> -> memref<1x80x32xf32, #tpu.memory_space<vmem>>
          %dma_start3A_131 = tpu.memref_squeeze %dma_start3A_130 : memref<1x80x32xf32, #tpu.memory_space<vmem>> -> memref<80x32xf32, #tpu.memory_space<vmem>>
          %dma_start3A_132 = tpu.memref_slice %arg6[%rem3A_61, %mul3A_127] : memref<2x1664xi32, #tpu.memory_space<vmem>> -> memref<1x80xi32, #tpu.memory_space<vmem>>
          %dma_start3A_133 = tpu.memref_squeeze %dma_start3A_132 : memref<1x80xi32, #tpu.memory_space<vmem>> -> memref<80xi32, #tpu.memory_space<vmem>>
          %dma_start3A_134 = arith.constant 0 : i32
          %dma_start3A_135 = arith.constant 0 : i32
          %dma_start3A_136 = tpu.memref_slice %arg3[%dma_start3A_134, %dma_start3A_135] : memref<2600000x32xf32, #tpu.memory_space<hbm>> -> memref<2600000x32xf32, #tpu.memory_space<hbm>>
          tpu.enqueue_indirect_dma source(%dma_start3A_136 : memref<2600000x32xf32, #tpu.memory_space<hbm>>) target(%dma_start3A_131 : memref<80x32xf32, #tpu.memory_space<vmem>>) offsets(%dma_start3A_133 : memref<80xi32, #tpu.memory_space<vmem>>) semaphore(%arg9 : memref<!tpu.dma_semaphore, #tpu.memory_space<semaphore_mem>>)
        }
        %scan3A_124 = arith.constant 20 : i32
      } else {
      }
      %dma_wait3A_70 = arith.constant 0 : i32
      %dma_wait3A_71 = arith.constant 0 : i32
      %dma_wait3A_72 = tpu.memref_slice %arg7[%rem3A_57, %dma_wait3A_70, %dma_wait3A_71] : memref<2x1600x32xf32, #tpu.memory_space<vmem>> -> memref<1x1600x32xf32, #tpu.memory_space<vmem>>
      %dma_wait3A_73 = tpu.memref_squeeze %dma_wait3A_72 : memref<1x1600x32xf32, #tpu.memory_space<vmem>> -> memref<1600x32xf32, #tpu.memory_space<vmem>>
      %dma_wait3A_74 = arith.constant 0 : i32
      %dma_wait3A_75 = arith.constant 0 : i32
      %dma_wait3A_76 = tpu.memref_slice %arg3[%dma_wait3A_74, %dma_wait3A_75] : memref<2600000x32xf32, #tpu.memory_space<hbm>> -> memref<1600x32xf32, #tpu.memory_space<hbm>>
      %dma_wait3A_77 = arith.constant 0 : i32
      %dma_wait3A_78 = arith.constant 0 : i32
      %dma_wait3A_79 = tpu.memref_slice %arg7[%rem3A_57, %dma_wait3A_77, %dma_wait3A_78] : memref<2x1600x32xf32, #tpu.memory_space<vmem>> -> memref<1x1600x32xf32, #tpu.memory_space<vmem>>
      %dma_wait3A_80 = tpu.memref_squeeze %dma_wait3A_79 : memref<1x1600x32xf32, #tpu.memory_space<vmem>> -> memref<1600x32xf32, #tpu.memory_space<vmem>>
      %dma_wait3A_81 = arith.constant 0 : i32
      %dma_wait3A_82 = arith.constant 0 : i32
      %dma_wait3A_83 = tpu.memref_slice %arg3[%dma_wait3A_81, %dma_wait3A_82] : memref<2600000x32xf32, #tpu.memory_space<hbm>> -> memref<1600x32xf32, #tpu.memory_space<hbm>>
      tpu.wait_dma2 semaphore(%arg9 : memref<!tpu.dma_semaphore, #tpu.memory_space<semaphore_mem>>) src(%dma_wait3A_83 : memref<1600x32xf32, #tpu.memory_space<hbm>>) dst(%dma_wait3A_80 : memref<1600x32xf32, #tpu.memory_space<vmem>>)
      %add3A_84 = arith.constant 2 : i32
      %add3A_85 = arith.addi %scan3A_56, %add3A_84 : i32
      %lt3A_86 = arith.constant 26 : i32
      %lt3A_87 = arith.cmpi slt, %add3A_85, %lt3A_86 : i32
      %convert_element_type3A_88 = arith.extui %lt3A_87 : i1 to i32
      %cond3A_89 = arith.constant 0 : i32
      %cond3A_90 = arith.cmpi ne, %convert_element_type3A_88, %cond3A_89 : i32
      scf.if %cond3A_90 {
        %add3A_113 = arith.constant 2 : i32
        %add3A_114 = arith.addi %scan3A_56, %add3A_113 : i32
        %mul3A_115 = arith.constant 26 : i32
        %mul3A_116 = arith.muli %add3A, %mul3A_115 : i32
        %add3A_117 = arith.addi %mul3A_116, %add3A_114 : i32
        %mul3A_118 = arith.constant 13 : i32
        %mul3A_119 = arith.muli %add3A_117, %mul3A_118 : i32
        %scan3A_120 = arith.constant 0 : i32
        %scan3A_121 = arith.constant 0 : i32
        %scan3A_122 = arith.constant 13 : i32
        %scan3A_123 = arith.addi %scan3A_121, %scan3A_122 : i32
        %scan3A_124 = arith.constant 1 : i32
        scf.for %scan3A_126 = %scan3A_121 to %scan3A_123 step %scan3A_124  : i32 {
          %add3A_127 = arith.addi %mul3A_119, %scan3A_126 : i32
          %mul3A_128 = arith.constant 128 : i32
          %mul3A_129 = arith.muli %scan3A_126, %mul3A_128 : i32
          %dma_start3A = tpu.memref_slice %arg6[%rem3A_57, %mul3A_129] : memref<2x1664xi32, #tpu.memory_space<vmem>> -> memref<1x128xi32, #tpu.memory_space<vmem>>
          %dma_start3A_130 = tpu.memref_squeeze %dma_start3A : memref<1x128xi32, #tpu.memory_space<vmem>> -> memref<128xi32, #tpu.memory_space<vmem>>
          %dma_start3A_131 = arith.constant 0 : i32
          %dma_start3A_132 = tpu.memref_slice %arg2[%add3A_127, %dma_start3A_131] : memref<10816x128xi32, #tpu.memory_space<hbm>> -> memref<1x128xi32, #tpu.memory_space<hbm>>
          %dma_start3A_133 = tpu.memref_squeeze %dma_start3A_132 : memref<1x128xi32, #tpu.memory_space<hbm>> -> memref<128xi32, #tpu.memory_space<hbm>>
          %dma_start3A_134 = tpu.memref_slice %arg6[%rem3A_57, %mul3A_129] : memref<2x1664xi32, #tpu.memory_space<vmem>> -> memref<1x128xi32, #tpu.memory_space<vmem>>
          %dma_start3A_135 = tpu.memref_squeeze %dma_start3A_134 : memref<1x128xi32, #tpu.memory_space<vmem>> -> memref<128xi32, #tpu.memory_space<vmem>>
          %dma_start3A_136 = arith.constant 0 : i32
          %dma_start3A_137 = tpu.memref_slice %arg2[%add3A_127, %dma_start3A_136] : memref<10816x128xi32, #tpu.memory_space<hbm>> -> memref<1x128xi32, #tpu.memory_space<hbm>>
          %dma_start3A_138 = tpu.memref_squeeze %dma_start3A_137 : memref<1x128xi32, #tpu.memory_space<hbm>> -> memref<128xi32, #tpu.memory_space<hbm>>
          tpu.enqueue_dma source(%dma_start3A_138 : memref<128xi32, #tpu.memory_space<hbm>>) target(%dma_start3A_135 : memref<128xi32, #tpu.memory_space<vmem>>) target_semaphore(%arg11 : memref<!tpu.dma_semaphore, #tpu.memory_space<semaphore_mem>>)
        }
        %scan3A_125 = arith.constant 13 : i32
      } else {
      }
      %div3A = arith.constant 4 : i32
      %div3A_91 = arith.divsi %scan3A_56, %div3A : i32
      %rem3A_92 = arith.constant 4 : i32
      %rem3A_93 = arith.remsi %scan3A_56, %rem3A_92 : i32
      %mul3A_94 = arith.constant 32 : i32
      %mul3A_95 = arith.muli %rem3A_93, %mul3A_94 : i32
      "tpu.region"() ({
        %run_scoped3A = tpu.sem_alloc : memref<!tpu.dma_semaphore, #tpu.memory_space<semaphore_mem>>
        %dma_start3A = tpu.memref_slice %arg4[%div3A_91, %mul3A_95] : memref<8x128xf32, #tpu.memory_space<hbm>> -> memref<1x32xf32, #tpu.memory_space<hbm>>
        %dma_start3A_113 = tpu.memref_squeeze %dma_start3A : memref<1x32xf32, #tpu.memory_space<hbm>> -> memref<32xf32, #tpu.memory_space<hbm>>
        %dma_start3A_114 = tpu.memref_slice %arg4[%div3A_91, %mul3A_95] : memref<8x128xf32, #tpu.memory_space<hbm>> -> memref<1x32xf32, #tpu.memory_space<hbm>>
        %dma_start3A_115 = tpu.memref_squeeze %dma_start3A_114 : memref<1x32xf32, #tpu.memory_space<hbm>> -> memref<32xf32, #tpu.memory_space<hbm>>
        tpu.enqueue_dma source(%dma_start3A_115 : memref<32xf32, #tpu.memory_space<hbm>>) target(%arg8 : memref<32xf32, #tpu.memory_space<vmem>>) target_semaphore(%run_scoped3A : memref<!tpu.dma_semaphore, #tpu.memory_space<semaphore_mem>>)
        %dma_wait3A_116 = tpu.memref_slice %arg4[%div3A_91, %mul3A_95] : memref<8x128xf32, #tpu.memory_space<hbm>> -> memref<1x32xf32, #tpu.memory_space<hbm>>
        %dma_wait3A_117 = tpu.memref_squeeze %dma_wait3A_116 : memref<1x32xf32, #tpu.memory_space<hbm>> -> memref<32xf32, #tpu.memory_space<hbm>>
        %dma_wait3A_118 = tpu.memref_slice %arg4[%div3A_91, %mul3A_95] : memref<8x128xf32, #tpu.memory_space<hbm>> -> memref<1x32xf32, #tpu.memory_space<hbm>>
        %dma_wait3A_119 = tpu.memref_squeeze %dma_wait3A_118 : memref<1x32xf32, #tpu.memory_space<hbm>> -> memref<32xf32, #tpu.memory_space<hbm>>
        tpu.wait_dma2 semaphore(%run_scoped3A : memref<!tpu.dma_semaphore, #tpu.memory_space<semaphore_mem>>) src(%dma_wait3A_119 : memref<32xf32, #tpu.memory_space<hbm>>) dst(%arg8 : memref<32xf32, #tpu.memory_space<vmem>>)
        tpu.yield
      }) : () -> ()
      %get3A = arith.constant 0 : index
      %get3A_96 = tpu.vector_load %arg8[%get3A] {strides = array<i32>} : memref<32xf32, #tpu.memory_space<vmem>>, vector<16xf32>,
      %get3A_97 = vector.shape_cast %get3A_96 : vector<16xf32> to vector<16xf32>
      %get3A_98 = arith.constant 16 : index
      %get3A_99 = tpu.vector_load %arg8[%get3A_98] {strides = array<i32>} : memref<32xf32, #tpu.memory_space<vmem>>, vector<16xf32>,
      %get3A_100 = vector.shape_cast %get3A_99 : vector<16xf32> to vector<16xf32>
      %scan3A_101 = arith.constant 0 : i32
      %scan3A_102 = arith.constant 0 : i32
      %scan3A_103 = arith.constant 200 : i32
      %scan3A_104 = arith.addi %scan3A_102, %scan3A_103 : i32
      %scan3A_105 = arith.constant 1 : i32
      scf.for %scan3A_113 = %scan3A_102 to %scan3A_104 step %scan3A_105  : i32 {
        %mul3A_114 = arith.constant 8 : i32
        %mul3A_115 = arith.muli %scan3A_113, %mul3A_114 : i32
        %add3A_116 = arith.constant 0 : i32
        %add3A_117 = arith.addi %mul3A_115, %add3A_116 : i32
        %get3A_118 = arith.index_cast %rem3A_57 : i32 to index
        %get3A_119 = arith.index_cast %add3A_117 : i32 to index
        %get3A_120 = arith.constant 0 : index
        %get3A_121 = tpu.vector_load %arg7[%get3A_118, %get3A_119, %get3A_120] {strides = array<i32>} : memref<2x1600x32xf32, #tpu.memory_space<vmem>>, vector<1x1x16xf32>,
        %get3A_122 = vector.shape_cast %get3A_121 : vector<1x1x16xf32> to vector<16xf32>
        %add3A_123 = arith.addf %get3A_122, %get3A_97 : vector<16xf32>
        %swap3A = arith.index_cast %rem3A_57 : i32 to index
        %swap3A_124 = arith.index_cast %add3A_117 : i32 to index
        %swap3A_125 = arith.constant 0 : index
        %swap3A_126 = tpu.vector_load %arg7[%swap3A, %swap3A_124, %swap3A_125] {strides = array<i32>} : memref<2x1600x32xf32, #tpu.memory_space<vmem>>, vector<1x1x16xf32>,
        %swap3A_127 = vector.shape_cast %swap3A_126 : vector<1x1x16xf32> to vector<16xf32>
        %swap3A_128 = vector.shape_cast %add3A_123 : vector<16xf32> to vector<1x1x16xf32>
        tpu.vector_store %arg7[%swap3A, %swap3A_124, %swap3A_125], %swap3A_128 {strides = array<i32>} : memref<2x1600x32xf32, #tpu.memory_space<vmem>>, vector<1x1x16xf32>,
        %add3A_129 = arith.constant 0 : i32
        %add3A_130 = arith.addi %mul3A_115, %add3A_129 : i32
        %get3A_131 = arith.index_cast %rem3A_57 : i32 to index
        %get3A_132 = arith.index_cast %add3A_130 : i32 to index
        %get3A_133 = arith.constant 16 : index
        %get3A_134 = tpu.vector_load %arg7[%get3A_131, %get3A_132, %get3A_133] {strides = array<i32>} : memref<2x1600x32xf32, #tpu.memory_space<vmem>>, vector<1x1x16xf32>,
        %get3A_135 = vector.shape_cast %get3A_134 : vector<1x1x16xf32> to vector<16xf32>
        %add3A_136 = arith.addf %get3A_135, %get3A_100 : vector<16xf32>
        %swap3A_137 = arith.index_cast %rem3A_57 : i32 to index
        %swap3A_138 = arith.index_cast %add3A_130 : i32 to index
        %swap3A_139 = arith.constant 16 : index
        %swap3A_140 = tpu.vector_load %arg7[%swap3A_137, %swap3A_138, %swap3A_139] {strides = array<i32>} : memref<2x1600x32xf32, #tpu.memory_space<vmem>>, vector<1x1x16xf32>,
        %swap3A_141 = vector.shape_cast %swap3A_140 : vector<1x1x16xf32> to vector<16xf32>
        %swap3A_142 = vector.shape_cast %add3A_136 : vector<16xf32> to vector<1x1x16xf32>
        tpu.vector_store %arg7[%swap3A_137, %swap3A_138, %swap3A_139], %swap3A_142 {strides = array<i32>} : memref<2x1600x32xf32, #tpu.memory_space<vmem>>, vector<1x1x16xf32>,
        %add3A_143 = arith.constant 1 : i32
        %add3A_144 = arith.addi %mul3A_115, %add3A_143 : i32
        %get3A_145 = arith.index_cast %rem3A_57 : i32 to index
        %get3A_146 = arith.index_cast %add3A_144 : i32 to index
        %get3A_147 = arith.constant 0 : index
        %get3A_148 = tpu.vector_load %arg7[%get3A_145, %get3A_146, %get3A_147] {strides = array<i32>} : memref<2x1600x32xf32, #tpu.memory_space<vmem>>, vector<1x1x16xf32>,
        %get3A_149 = vector.shape_cast %get3A_148 : vector<1x1x16xf32> to vector<16xf32>
        %add3A_150 = arith.addf %get3A_149, %get3A_97 : vector<16xf32>
        %swap3A_151 = arith.index_cast %rem3A_57 : i32 to index
        %swap3A_152 = arith.index_cast %add3A_144 : i32 to index
        %swap3A_153 = arith.constant 0 : index
        %swap3A_154 = tpu.vector_load %arg7[%swap3A_151, %swap3A_152, %swap3A_153] {strides = array<i32>} : memref<2x1600x32xf32, #tpu.memory_space<vmem>>, vector<1x1x16xf32>,
        %swap3A_155 = vector.shape_cast %swap3A_154 : vector<1x1x16xf32> to vector<16xf32>
        %swap3A_156 = vector.shape_cast %add3A_150 : vector<16xf32> to vector<1x1x16xf32>
        tpu.vector_store %arg7[%swap3A_151, %swap3A_152, %swap3A_153], %swap3A_156 {strides = array<i32>} : memref<2x1600x32xf32, #tpu.memory_space<vmem>>, vector<1x1x16xf32>,
        %add3A_157 = arith.constant 1 : i32
        %add3A_158 = arith.addi %mul3A_115, %add3A_157 : i32
        %get3A_159 = arith.index_cast %rem3A_57 : i32 to index
        %get3A_160 = arith.index_cast %add3A_158 : i32 to index
        %get3A_161 = arith.constant 16 : index
        %get3A_162 = tpu.vector_load %arg7[%get3A_159, %get3A_160, %get3A_161] {strides = array<i32>} : memref<2x1600x32xf32, #tpu.memory_space<vmem>>, vector<1x1x16xf32>,
        %get3A_163 = vector.shape_cast %get3A_162 : vector<1x1x16xf32> to vector<16xf32>
        %add3A_164 = arith.addf %get3A_163, %get3A_100 : vector<16xf32>
        %swap3A_165 = arith.index_cast %rem3A_57 : i32 to index
        %swap3A_166 = arith.index_cast %add3A_158 : i32 to index
        %swap3A_167 = arith.constant 16 : index
        %swap3A_168 = tpu.vector_load %arg7[%swap3A_165, %swap3A_166, %swap3A_167] {strides = array<i32>} : memref<2x1600x32xf32, #tpu.memory_space<vmem>>, vector<1x1x16xf32>,
        %swap3A_169 = vector.shape_cast %swap3A_168 : vector<1x1x16xf32> to vector<16xf32>
        %swap3A_170 = vector.shape_cast %add3A_164 : vector<16xf32> to vector<1x1x16xf32>
        tpu.vector_store %arg7[%swap3A_165, %swap3A_166, %swap3A_167], %swap3A_170 {strides = array<i32>} : memref<2x1600x32xf32, #tpu.memory_space<vmem>>, vector<1x1x16xf32>,
        %add3A_171 = arith.constant 2 : i32
        %add3A_172 = arith.addi %mul3A_115, %add3A_171 : i32
        %get3A_173 = arith.index_cast %rem3A_57 : i32 to index
        %get3A_174 = arith.index_cast %add3A_172 : i32 to index
        %get3A_175 = arith.constant 0 : index
        %get3A_176 = tpu.vector_load %arg7[%get3A_173, %get3A_174, %get3A_175] {strides = array<i32>} : memref<2x1600x32xf32, #tpu.memory_space<vmem>>, vector<1x1x16xf32>,
        %get3A_177 = vector.shape_cast %get3A_176 : vector<1x1x16xf32> to vector<16xf32>
        %add3A_178 = arith.addf %get3A_177, %get3A_97 : vector<16xf32>
        %swap3A_179 = arith.index_cast %rem3A_57 : i32 to index
        %swap3A_180 = arith.index_cast %add3A_172 : i32 to index
        %swap3A_181 = arith.constant 0 : index
        %swap3A_182 = tpu.vector_load %arg7[%swap3A_179, %swap3A_180, %swap3A_181] {strides = array<i32>} : memref<2x1600x32xf32, #tpu.memory_space<vmem>>, vector<1x1x16xf32>,
        %swap3A_183 = vector.shape_cast %swap3A_182 : vector<1x1x16xf32> to vector<16xf32>
        %swap3A_184 = vector.shape_cast %add3A_178 : vector<16xf32> to vector<1x1x16xf32>
        tpu.vector_store %arg7[%swap3A_179, %swap3A_180, %swap3A_181], %swap3A_184 {strides = array<i32>} : memref<2x1600x32xf32, #tpu.memory_space<vmem>>, vector<1x1x16xf32>,
        %add3A_185 = arith.constant 2 : i32
        %add3A_186 = arith.addi %mul3A_115, %add3A_185 : i32
        %get3A_187 = arith.index_cast %rem3A_57 : i32 to index
        %get3A_188 = arith.index_cast %add3A_186 : i32 to index
        %get3A_189 = arith.constant 16 : index
        %get3A_190 = tpu.vector_load %arg7[%get3A_187, %get3A_188, %get3A_189] {strides = array<i32>} : memref<2x1600x32xf32, #tpu.memory_space<vmem>>, vector<1x1x16xf32>,
        %get3A_191 = vector.shape_cast %get3A_190 : vector<1x1x16xf32> to vector<16xf32>
        %add3A_192 = arith.addf %get3A_191, %get3A_100 : vector<16xf32>
        %swap3A_193 = arith.index_cast %rem3A_57 : i32 to index
        %swap3A_194 = arith.index_cast %add3A_186 : i32 to index
        %swap3A_195 = arith.constant 16 : index
        %swap3A_196 = tpu.vector_load %arg7[%swap3A_193, %swap3A_194, %swap3A_195] {strides = array<i32>} : memref<2x1600x32xf32, #tpu.memory_space<vmem>>, vector<1x1x16xf32>,
        %swap3A_197 = vector.shape_cast %swap3A_196 : vector<1x1x16xf32> to vector<16xf32>
        %swap3A_198 = vector.shape_cast %add3A_192 : vector<16xf32> to vector<1x1x16xf32>
        tpu.vector_store %arg7[%swap3A_193, %swap3A_194, %swap3A_195], %swap3A_198 {strides = array<i32>} : memref<2x1600x32xf32, #tpu.memory_space<vmem>>, vector<1x1x16xf32>,
        %add3A_199 = arith.constant 3 : i32
        %add3A_200 = arith.addi %mul3A_115, %add3A_199 : i32
        %get3A_201 = arith.index_cast %rem3A_57 : i32 to index
        %get3A_202 = arith.index_cast %add3A_200 : i32 to index
        %get3A_203 = arith.constant 0 : index
        %get3A_204 = tpu.vector_load %arg7[%get3A_201, %get3A_202, %get3A_203] {strides = array<i32>} : memref<2x1600x32xf32, #tpu.memory_space<vmem>>, vector<1x1x16xf32>,
        %get3A_205 = vector.shape_cast %get3A_204 : vector<1x1x16xf32> to vector<16xf32>
        %add3A_206 = arith.addf %get3A_205, %get3A_97 : vector<16xf32>
        %swap3A_207 = arith.index_cast %rem3A_57 : i32 to index
        %swap3A_208 = arith.index_cast %add3A_200 : i32 to index
        %swap3A_209 = arith.constant 0 : index
        %swap3A_210 = tpu.vector_load %arg7[%swap3A_207, %swap3A_208, %swap3A_209] {strides = array<i32>} : memref<2x1600x32xf32, #tpu.memory_space<vmem>>, vector<1x1x16xf32>,
        %swap3A_211 = vector.shape_cast %swap3A_210 : vector<1x1x16xf32> to vector<16xf32>
        %swap3A_212 = vector.shape_cast %add3A_206 : vector<16xf32> to vector<1x1x16xf32>
        tpu.vector_store %arg7[%swap3A_207, %swap3A_208, %swap3A_209], %swap3A_212 {strides = array<i32>} : memref<2x1600x32xf32, #tpu.memory_space<vmem>>, vector<1x1x16xf32>,
        %add3A_213 = arith.constant 3 : i32
        %add3A_214 = arith.addi %mul3A_115, %add3A_213 : i32
        %get3A_215 = arith.index_cast %rem3A_57 : i32 to index
        %get3A_216 = arith.index_cast %add3A_214 : i32 to index
        %get3A_217 = arith.constant 16 : index
        %get3A_218 = tpu.vector_load %arg7[%get3A_215, %get3A_216, %get3A_217] {strides = array<i32>} : memref<2x1600x32xf32, #tpu.memory_space<vmem>>, vector<1x1x16xf32>,
        %get3A_219 = vector.shape_cast %get3A_218 : vector<1x1x16xf32> to vector<16xf32>
        %add3A_220 = arith.addf %get3A_219, %get3A_100 : vector<16xf32>
        %swap3A_221 = arith.index_cast %rem3A_57 : i32 to index
        %swap3A_222 = arith.index_cast %add3A_214 : i32 to index
        %swap3A_223 = arith.constant 16 : index
        %swap3A_224 = tpu.vector_load %arg7[%swap3A_221, %swap3A_222, %swap3A_223] {strides = array<i32>} : memref<2x1600x32xf32, #tpu.memory_space<vmem>>, vector<1x1x16xf32>,
        %swap3A_225 = vector.shape_cast %swap3A_224 : vector<1x1x16xf32> to vector<16xf32>
        %swap3A_226 = vector.shape_cast %add3A_220 : vector<16xf32> to vector<1x1x16xf32>
        tpu.vector_store %arg7[%swap3A_221, %swap3A_222, %swap3A_223], %swap3A_226 {strides = array<i32>} : memref<2x1600x32xf32, #tpu.memory_space<vmem>>, vector<1x1x16xf32>,
        %add3A_227 = arith.constant 4 : i32
        %add3A_228 = arith.addi %mul3A_115, %add3A_227 : i32
        %get3A_229 = arith.index_cast %rem3A_57 : i32 to index
        %get3A_230 = arith.index_cast %add3A_228 : i32 to index
        %get3A_231 = arith.constant 0 : index
        %get3A_232 = tpu.vector_load %arg7[%get3A_229, %get3A_230, %get3A_231] {strides = array<i32>} : memref<2x1600x32xf32, #tpu.memory_space<vmem>>, vector<1x1x16xf32>,
        %get3A_233 = vector.shape_cast %get3A_232 : vector<1x1x16xf32> to vector<16xf32>
        %add3A_234 = arith.addf %get3A_233, %get3A_97 : vector<16xf32>
        %swap3A_235 = arith.index_cast %rem3A_57 : i32 to index
        %swap3A_236 = arith.index_cast %add3A_228 : i32 to index
        %swap3A_237 = arith.constant 0 : index
        %swap3A_238 = tpu.vector_load %arg7[%swap3A_235, %swap3A_236, %swap3A_237] {strides = array<i32>} : memref<2x1600x32xf32, #tpu.memory_space<vmem>>, vector<1x1x16xf32>,
        %swap3A_239 = vector.shape_cast %swap3A_238 : vector<1x1x16xf32> to vector<16xf32>
        %swap3A_240 = vector.shape_cast %add3A_234 : vector<16xf32> to vector<1x1x16xf32>
        tpu.vector_store %arg7[%swap3A_235, %swap3A_236, %swap3A_237], %swap3A_240 {strides = array<i32>} : memref<2x1600x32xf32, #tpu.memory_space<vmem>>, vector<1x1x16xf32>,
        %add3A_241 = arith.constant 4 : i32
        %add3A_242 = arith.addi %mul3A_115, %add3A_241 : i32
        %get3A_243 = arith.index_cast %rem3A_57 : i32 to index
        %get3A_244 = arith.index_cast %add3A_242 : i32 to index
        %get3A_245 = arith.constant 16 : index
        %get3A_246 = tpu.vector_load %arg7[%get3A_243, %get3A_244, %get3A_245] {strides = array<i32>} : memref<2x1600x32xf32, #tpu.memory_space<vmem>>, vector<1x1x16xf32>,
        %get3A_247 = vector.shape_cast %get3A_246 : vector<1x1x16xf32> to vector<16xf32>
        %add3A_248 = arith.addf %get3A_247, %get3A_100 : vector<16xf32>
        %swap3A_249 = arith.index_cast %rem3A_57 : i32 to index
        %swap3A_250 = arith.index_cast %add3A_242 : i32 to index
        %swap3A_251 = arith.constant 16 : index
        %swap3A_252 = tpu.vector_load %arg7[%swap3A_249, %swap3A_250, %swap3A_251] {strides = array<i32>} : memref<2x1600x32xf32, #tpu.memory_space<vmem>>, vector<1x1x16xf32>,
        %swap3A_253 = vector.shape_cast %swap3A_252 : vector<1x1x16xf32> to vector<16xf32>
        %swap3A_254 = vector.shape_cast %add3A_248 : vector<16xf32> to vector<1x1x16xf32>
        tpu.vector_store %arg7[%swap3A_249, %swap3A_250, %swap3A_251], %swap3A_254 {strides = array<i32>} : memref<2x1600x32xf32, #tpu.memory_space<vmem>>, vector<1x1x16xf32>,
        %add3A_255 = arith.constant 5 : i32
        %add3A_256 = arith.addi %mul3A_115, %add3A_255 : i32
        %get3A_257 = arith.index_cast %rem3A_57 : i32 to index
        %get3A_258 = arith.index_cast %add3A_256 : i32 to index
        %get3A_259 = arith.constant 0 : index
        %get3A_260 = tpu.vector_load %arg7[%get3A_257, %get3A_258, %get3A_259] {strides = array<i32>} : memref<2x1600x32xf32, #tpu.memory_space<vmem>>, vector<1x1x16xf32>,
        %get3A_261 = vector.shape_cast %get3A_260 : vector<1x1x16xf32> to vector<16xf32>
        %add3A_262 = arith.addf %get3A_261, %get3A_97 : vector<16xf32>
        %swap3A_263 = arith.index_cast %rem3A_57 : i32 to index
        %swap3A_264 = arith.index_cast %add3A_256 : i32 to index
        %swap3A_265 = arith.constant 0 : index
        %swap3A_266 = tpu.vector_load %arg7[%swap3A_263, %swap3A_264, %swap3A_265] {strides = array<i32>} : memref<2x1600x32xf32, #tpu.memory_space<vmem>>, vector<1x1x16xf32>,
        %swap3A_267 = vector.shape_cast %swap3A_266 : vector<1x1x16xf32> to vector<16xf32>
        %swap3A_268 = vector.shape_cast %add3A_262 : vector<16xf32> to vector<1x1x16xf32>
        tpu.vector_store %arg7[%swap3A_263, %swap3A_264, %swap3A_265], %swap3A_268 {strides = array<i32>} : memref<2x1600x32xf32, #tpu.memory_space<vmem>>, vector<1x1x16xf32>,
        %add3A_269 = arith.constant 5 : i32
        %add3A_270 = arith.addi %mul3A_115, %add3A_269 : i32
        %get3A_271 = arith.index_cast %rem3A_57 : i32 to index
        %get3A_272 = arith.index_cast %add3A_270 : i32 to index
        %get3A_273 = arith.constant 16 : index
        %get3A_274 = tpu.vector_load %arg7[%get3A_271, %get3A_272, %get3A_273] {strides = array<i32>} : memref<2x1600x32xf32, #tpu.memory_space<vmem>>, vector<1x1x16xf32>,
        %get3A_275 = vector.shape_cast %get3A_274 : vector<1x1x16xf32> to vector<16xf32>
        %add3A_276 = arith.addf %get3A_275, %get3A_100 : vector<16xf32>
        %swap3A_277 = arith.index_cast %rem3A_57 : i32 to index
        %swap3A_278 = arith.index_cast %add3A_270 : i32 to index
        %swap3A_279 = arith.constant 16 : index
        %swap3A_280 = tpu.vector_load %arg7[%swap3A_277, %swap3A_278, %swap3A_279] {strides = array<i32>} : memref<2x1600x32xf32, #tpu.memory_space<vmem>>, vector<1x1x16xf32>,
        %swap3A_281 = vector.shape_cast %swap3A_280 : vector<1x1x16xf32> to vector<16xf32>
        %swap3A_282 = vector.shape_cast %add3A_276 : vector<16xf32> to vector<1x1x16xf32>
        tpu.vector_store %arg7[%swap3A_277, %swap3A_278, %swap3A_279], %swap3A_282 {strides = array<i32>} : memref<2x1600x32xf32, #tpu.memory_space<vmem>>, vector<1x1x16xf32>,
        %add3A_283 = arith.constant 6 : i32
        %add3A_284 = arith.addi %mul3A_115, %add3A_283 : i32
        %get3A_285 = arith.index_cast %rem3A_57 : i32 to index
        %get3A_286 = arith.index_cast %add3A_284 : i32 to index
        %get3A_287 = arith.constant 0 : index
        %get3A_288 = tpu.vector_load %arg7[%get3A_285, %get3A_286, %get3A_287] {strides = array<i32>} : memref<2x1600x32xf32, #tpu.memory_space<vmem>>, vector<1x1x16xf32>,
        %get3A_289 = vector.shape_cast %get3A_288 : vector<1x1x16xf32> to vector<16xf32>
        %add3A_290 = arith.addf %get3A_289, %get3A_97 : vector<16xf32>
        %swap3A_291 = arith.index_cast %rem3A_57 : i32 to index
        %swap3A_292 = arith.index_cast %add3A_284 : i32 to index
        %swap3A_293 = arith.constant 0 : index
        %swap3A_294 = tpu.vector_load %arg7[%swap3A_291, %swap3A_292, %swap3A_293] {strides = array<i32>} : memref<2x1600x32xf32, #tpu.memory_space<vmem>>, vector<1x1x16xf32>,
        %swap3A_295 = vector.shape_cast %swap3A_294 : vector<1x1x16xf32> to vector<16xf32>
        %swap3A_296 = vector.shape_cast %add3A_290 : vector<16xf32> to vector<1x1x16xf32>
        tpu.vector_store %arg7[%swap3A_291, %swap3A_292, %swap3A_293], %swap3A_296 {strides = array<i32>} : memref<2x1600x32xf32, #tpu.memory_space<vmem>>, vector<1x1x16xf32>,
        %add3A_297 = arith.constant 6 : i32
        %add3A_298 = arith.addi %mul3A_115, %add3A_297 : i32
        %get3A_299 = arith.index_cast %rem3A_57 : i32 to index
        %get3A_300 = arith.index_cast %add3A_298 : i32 to index
        %get3A_301 = arith.constant 16 : index
        %get3A_302 = tpu.vector_load %arg7[%get3A_299, %get3A_300, %get3A_301] {strides = array<i32>} : memref<2x1600x32xf32, #tpu.memory_space<vmem>>, vector<1x1x16xf32>,
        %get3A_303 = vector.shape_cast %get3A_302 : vector<1x1x16xf32> to vector<16xf32>
        %add3A_304 = arith.addf %get3A_303, %get3A_100 : vector<16xf32>
        %swap3A_305 = arith.index_cast %rem3A_57 : i32 to index
        %swap3A_306 = arith.index_cast %add3A_298 : i32 to index
        %swap3A_307 = arith.constant 16 : index
        %swap3A_308 = tpu.vector_load %arg7[%swap3A_305, %swap3A_306, %swap3A_307] {strides = array<i32>} : memref<2x1600x32xf32, #tpu.memory_space<vmem>>, vector<1x1x16xf32>,
        %swap3A_309 = vector.shape_cast %swap3A_308 : vector<1x1x16xf32> to vector<16xf32>
        %swap3A_310 = vector.shape_cast %add3A_304 : vector<16xf32> to vector<1x1x16xf32>
        tpu.vector_store %arg7[%swap3A_305, %swap3A_306, %swap3A_307], %swap3A_310 {strides = array<i32>} : memref<2x1600x32xf32, #tpu.memory_space<vmem>>, vector<1x1x16xf32>,
        %add3A_311 = arith.constant 7 : i32
        %add3A_312 = arith.addi %mul3A_115, %add3A_311 : i32
        %get3A_313 = arith.index_cast %rem3A_57 : i32 to index
        %get3A_314 = arith.index_cast %add3A_312 : i32 to index
        %get3A_315 = arith.constant 0 : index
        %get3A_316 = tpu.vector_load %arg7[%get3A_313, %get3A_314, %get3A_315] {strides = array<i32>} : memref<2x1600x32xf32, #tpu.memory_space<vmem>>, vector<1x1x16xf32>,
        %get3A_317 = vector.shape_cast %get3A_316 : vector<1x1x16xf32> to vector<16xf32>
        %add3A_318 = arith.addf %get3A_317, %get3A_97 : vector<16xf32>
        %swap3A_319 = arith.index_cast %rem3A_57 : i32 to index
        %swap3A_320 = arith.index_cast %add3A_312 : i32 to index
        %swap3A_321 = arith.constant 0 : index
        %swap3A_322 = tpu.vector_load %arg7[%swap3A_319, %swap3A_320, %swap3A_321] {strides = array<i32>} : memref<2x1600x32xf32, #tpu.memory_space<vmem>>, vector<1x1x16xf32>,
        %swap3A_323 = vector.shape_cast %swap3A_322 : vector<1x1x16xf32> to vector<16xf32>
        %swap3A_324 = vector.shape_cast %add3A_318 : vector<16xf32> to vector<1x1x16xf32>
        tpu.vector_store %arg7[%swap3A_319, %swap3A_320, %swap3A_321], %swap3A_324 {strides = array<i32>} : memref<2x1600x32xf32, #tpu.memory_space<vmem>>, vector<1x1x16xf32>,
        %add3A_325 = arith.constant 7 : i32
        %add3A_326 = arith.addi %mul3A_115, %add3A_325 : i32
        %get3A_327 = arith.index_cast %rem3A_57 : i32 to index
        %get3A_328 = arith.index_cast %add3A_326 : i32 to index
        %get3A_329 = arith.constant 16 : index
        %get3A_330 = tpu.vector_load %arg7[%get3A_327, %get3A_328, %get3A_329] {strides = array<i32>} : memref<2x1600x32xf32, #tpu.memory_space<vmem>>, vector<1x1x16xf32>,
        %get3A_331 = vector.shape_cast %get3A_330 : vector<1x1x16xf32> to vector<16xf32>
        %add3A_332 = arith.addf %get3A_331, %get3A_100 : vector<16xf32>
        %swap3A_333 = arith.index_cast %rem3A_57 : i32 to index
        %swap3A_334 = arith.index_cast %add3A_326 : i32 to index
        %swap3A_335 = arith.constant 16 : index
        %swap3A_336 = tpu.vector_load %arg7[%swap3A_333, %swap3A_334, %swap3A_335] {strides = array<i32>} : memref<2x1600x32xf32, #tpu.memory_space<vmem>>, vector<1x1x16xf32>,
        %swap3A_337 = vector.shape_cast %swap3A_336 : vector<1x1x16xf32> to vector<16xf32>
        %swap3A_338 = vector.shape_cast %add3A_332 : vector<16xf32> to vector<1x1x16xf32>
        tpu.vector_store %arg7[%swap3A_333, %swap3A_334, %swap3A_335], %swap3A_338 {strides = array<i32>} : memref<2x1600x32xf32, #tpu.memory_space<vmem>>, vector<1x1x16xf32>,
      }
      %scan3A_106 = arith.constant 200 : i32
      %scan3A_107 = arith.constant 0 : i32
      %scan3A_108 = arith.constant 0 : i32
      %scan3A_109 = arith.constant 32 : i32
      %scan3A_110 = arith.addi %scan3A_108, %scan3A_109 : i32
      %scan3A_111 = arith.constant 1 : i32
      scf.for %scan3A_113 = %scan3A_108 to %scan3A_110 step %scan3A_111  : i32 {
        %mul3A_114 = arith.constant 50 : i32
        %mul3A_115 = arith.muli %scan3A_113, %mul3A_114 : i32
        %mul3A_116 = arith.constant 32 : i32
        %mul3A_117 = arith.muli %add3A, %mul3A_116 : i32
        %add3A_118 = arith.addi %mul3A_117, %scan3A_113 : i32
        %mul3A_119 = arith.constant 32 : i32
        %mul3A_120 = arith.muli %scan3A_56, %mul3A_119 : i32
        %dma_start3A = arith.constant 0 : i32
        %dma_start3A_121 = tpu.memref_slice %arg7[%rem3A_57, %mul3A_115, %dma_start3A] : memref<2x1600x32xf32, #tpu.memory_space<vmem>> -> memref<1x50x32xf32, #tpu.memory_space<vmem>>
        %dma_start3A_122 = tpu.memref_squeeze %dma_start3A_121 : memref<1x50x32xf32, #tpu.memory_space<vmem>> -> memref<50x32xf32, #tpu.memory_space<vmem>>
        %dma_start3A_123 = arith.constant 0 : i32
        %dma_start3A_124 = tpu.memref_slice %arg5[%add3A_118, %dma_start3A_123, %mul3A_120] : memref<1024x50x832xf32, #tpu.memory_space<hbm>> -> memref<1x50x32xf32, #tpu.memory_space<hbm>>
        %dma_start3A_125 = tpu.memref_squeeze %dma_start3A_124 : memref<1x50x32xf32, #tpu.memory_space<hbm>> -> memref<50x32xf32, #tpu.memory_space<hbm>>
        %dma_start3A_126 = arith.constant 0 : i32
        %dma_start3A_127 = tpu.memref_slice %arg5[%add3A_118, %dma_start3A_126, %mul3A_120] : memref<1024x50x832xf32, #tpu.memory_space<hbm>> -> memref<1x50x32xf32, #tpu.memory_space<hbm>>
        %dma_start3A_128 = tpu.memref_squeeze %dma_start3A_127 : memref<1x50x32xf32, #tpu.memory_space<hbm>> -> memref<50x32xf32, #tpu.memory_space<hbm>>
        %dma_start3A_129 = arith.constant 0 : i32
        %dma_start3A_130 = tpu.memref_slice %arg7[%rem3A_57, %mul3A_115, %dma_start3A_129] : memref<2x1600x32xf32, #tpu.memory_space<vmem>> -> memref<1x50x32xf32, #tpu.memory_space<vmem>>
        %dma_start3A_131 = tpu.memref_squeeze %dma_start3A_130 : memref<1x50x32xf32, #tpu.memory_space<vmem>> -> memref<50x32xf32, #tpu.memory_space<vmem>>
        tpu.enqueue_dma source(%dma_start3A_131 : memref<50x32xf32, #tpu.memory_space<vmem>>) target(%dma_start3A_128 : memref<50x32xf32, #tpu.memory_space<hbm>>) target_semaphore(%arg10 : memref<!tpu.dma_semaphore, #tpu.memory_space<semaphore_mem>>)
      }
      %scan3A_112 = arith.constant 32 : i32
    }
    %scan3A_41 = arith.constant 26 : i32
    %dma_wait3A = arith.constant 1 : i32
    %dma_wait3A_42 = arith.constant 0 : i32
    %dma_wait3A_43 = arith.constant 0 : i32
    %dma_wait3A_44 = tpu.memref_slice %arg7[%dma_wait3A, %dma_wait3A_42, %dma_wait3A_43] : memref<2x1600x32xf32, #tpu.memory_space<vmem>> -> memref<1x1600x32xf32, #tpu.memory_space<vmem>>
    %dma_wait3A_45 = tpu.memref_squeeze %dma_wait3A_44 : memref<1x1600x32xf32, #tpu.memory_space<vmem>> -> memref<1600x32xf32, #tpu.memory_space<vmem>>
    %dma_wait3A_46 = arith.constant 0 : i32
    %dma_wait3A_47 = arith.constant 0 : i32
    %dma_wait3A_48 = tpu.memref_slice %arg3[%dma_wait3A_46, %dma_wait3A_47] : memref<2600000x32xf32, #tpu.memory_space<hbm>> -> memref<1600x32xf32, #tpu.memory_space<hbm>>
    %dma_wait3A_49 = arith.constant 0 : i32
    %dma_wait3A_50 = arith.constant 0 : i32
    %dma_wait3A_51 = tpu.memref_slice %arg7[%dma_wait3A, %dma_wait3A_49, %dma_wait3A_50] : memref<2x1600x32xf32, #tpu.memory_space<vmem>> -> memref<1x1600x32xf32, #tpu.memory_space<vmem>>
    %dma_wait3A_52 = tpu.memref_squeeze %dma_wait3A_51 : memref<1x1600x32xf32, #tpu.memory_space<vmem>> -> memref<1600x32xf32, #tpu.memory_space<vmem>>
    %dma_wait3A_53 = arith.constant 0 : i32
    %dma_wait3A_54 = arith.constant 0 : i32
    %dma_wait3A_55 = tpu.memref_slice %arg3[%dma_wait3A_53, %dma_wait3A_54] : memref<2600000x32xf32, #tpu.memory_space<hbm>> -> memref<1600x32xf32, #tpu.memory_space<hbm>>
    tpu.wait_dma2 semaphore(%arg10 : memref<!tpu.dma_semaphore, #tpu.memory_space<semaphore_mem>>) src(%dma_wait3A_55 : memref<1600x32xf32, #tpu.memory_space<hbm>>) dst(%dma_wait3A_52 : memref<1600x32xf32, #tpu.memory_space<vmem>>)
    return
  }
}

</mosaic_0001>

<sc_bundles>
// kernel: kernel.3.cloned.1.call-start
scs
__scs_entry_jumppad:
0x0: {  	(pc) =	sbr.rel $0x88, $3  }
0x1: {  	(tag) =	ssettag $0x0;
	lr =	simm.s32 $0x1  }
0x2: {  	[smem:$0x3F9E] =	sst lr;
	_ =	strace $0xD0000000  }
0x3: {  	_ = 	snop  }
0x4: {  	_ = 	snop  }
0x5: {  	_ = 	snop  }
0x6: {  	_ = 	snop  }
0x7: {  	_ = 	snop  }
__scs_overlays_trampoline_lowered:
0x8: {  	[smem:$0x3FAD] =	sst s0  }
0x9: {  	[smem:$0x3FAE] =	sst s1  }
0xa: {  	[smem:$0x3FAF] =	sst s2  }
0xb: {  	[smem:$0x3FB0] =	sst s3  }
0xc: {  	[smem:$0x3FB1] =	sst s4  }
0xd: {  	[smem:$0x3FB2] =	sst s5  }
0xe: {  	[smem:$0x3FB3] =	sst s6  }
0xf: {  	[smem:$0x3FB4] =	sst s7  }
0x10: {  	[smem:$0x3FB5] =	sst s8  }
0x11: {  	[smem:$0x3FB6] =	sst s9;
	s0 =	simm.s32 @!p0 $0x0  }
0x12: {  	s1 =	sld [smem:$0x3F9C];
	s0 =	simm.s32 @p0 $0x1  }
0x13: {  	[smem:$0x3FB7] =	sst s0;
	s0 =	simm.s32 @!p1 $0x0  }
0x14: {  	s2 =	sld [smem:$0x3F9B];
	s0 =	simm.s32 @p1 $0x1  }
0x15: {  	[smem:$0x3FB8] =	sst s0;
	s0 =	simm.s32 @!p2 $0x0  }
0x16: {  	s3 =	sld [smem:$0x3FDB];
	s0 =	simm.s32 @p2 $0x1  }
0x17: {  	s4 =	simm.s32 $0x1BF5;
	[smem:$0x3FBA] =	sst s0  }
0x18: {  	s0 =	sld [smem:$0x3F9D];
	_ =	swait.ge [sflag:s4], $0x0  }
0x19: {  	s7 =	sld [smem:$0x3F9E]  }
0x1a: {  	s8 =	sadd.s32 $0xFFFFE003, lr  }
0x1b: {  	s9 =	sadd.s32 $0xFFFFFEF7, lr;
	s5 =	simm.s32 $0xFFFFFFFF;
	p2 =	slt.u32 s8, $0xFFFFF086  }
0x1c: {  	p1 =	slt.u32 s9, $0xF7A;
	s5 =	simm.s32 @!p2 $0x0  }
0x1d: {  	s5 =	simm.s32 @p1 $0x1;
	p0 =	seq.s32 s7, s2  }
0x1e: {  	s7 =	smul.u32 @!p0 $0xF7A, s2;
	p2 =	seq.s32 @!p0 s5, $0x0  }
0x1f: {  	s9 =	smul.u32 $0xF7A, s1;
	s8 =	simm.s32 @!p0 $0x1BF5;
	p2 =	por !p2, p0  }
0x20: {  	[sflag:s8] =	ssyncset.s32 @!p0 $0xFFFFF086;
	s6 =	sadd.s32 @!p0 s3, s7;
	s7 =	simm.s32 @!p0 $0x108  }
0x21: {  	s3 =	sadd.s32 s3, s9;
	s6 =	sadd.s32 @!p0 $0x88, s6;
	s7 =	simm.s32 @p2 $0x1082  }
0x22: {  	[simem:s7], [sflag:s8] =	dma.local @!p0 [hbm:s6], $0xF7A  }
0x23: {  	s9 =	sor.u32 $0xD0000000, s2;
	s6 =	simm.s32 $0x108;
	_ =	swait.ge @!p0 [sflag:s8], $0x0  }
0x24: {  	s3 =	sadd.s32 $0x88, s3;
	s6 =	simm.s32 @!p1 $0x1082;
	[sflag:s4] =	ssyncset.s32 $0xFFFFF086  }
0x25: {  	[simem:s6], [sflag:s4] =	dma.local [hbm:s3], $0xF7A  }
0x26: {  	[smem:$0x3F9E] =	sst s1;
	(tag) =	ssettag s2;
	_ =	strace s9  }
0x27: {  	s1 =	sld [smem:$0x3FAE]  }
0x28: {  	s2 =	sld [smem:$0x3FAF]  }
0x29: {  	s4 =	sld [smem:$0x3FB1]  }
0x2a: {  	p0 =	seq.s32 s5, $0x0;
	s5 =	sld [smem:$0x3FB2]  }
0x2b: {  	s6 =	sld [smem:$0x3FB3]  }
0x2c: {  	s7 =	sld [smem:$0x3FB4]  }
0x2d: {  	s3 =	simm.s32 $0x108;
	s8 =	sld [smem:$0x3FB5]  }
0x2e: {  	s3 =	simm.s32 @!p0 $0x1082;
	s9 =	sld [smem:$0x3FB6]  }
0x2f: {  	lr =	sadd.s32 s0, s3;
	s0 =	sld [smem:$0x3FAD]  }
0x30: {  	s3 =	sld [smem:$0x3FB0]  }
0x31: {  	[smem:$0x3FB9] =	sst s10  }
0x32: {  	s10 =	sld [smem:$0x3FB7];
	_ =	sdelay $0x3  }
0x33: {  	p0 =	seq.s32 s10, $0x1;
	s10 =	sld [smem:$0x3FB9];
	_ =	sdelay $0x3  }
0x34: {  	[smem:$0x3FB9] =	sst s10  }
0x35: {  	s10 =	sld [smem:$0x3FB8];
	_ =	sdelay $0x3  }
0x36: {  	p1 =	seq.s32 s10, $0x1;
	s10 =	sld [smem:$0x3FB9];
	_ =	sdelay $0x3  }
0x37: {  	[smem:$0x3FB9] =	sst s10  }
0x38: {  	s10 =	sld [smem:$0x3FBA]  }
0x39: {  	_ = 	snop;
	(pc) =	sbr.ind lr, $3  }
0x3a: {  	_ = 	snop  }
0x3b: {  	_ = 	snop  }
0x3c: {  	p2 =	seq.s32 s10, $0x1;
	s10 =	sld [smem:$0x3FB9]  }
0x3d: {  	_ =	shalt  }
0x3e: {  	_ =	shalt  }
0x3f: {  	_ =	shalt  }
0x40: {  	_ =	shalt  }
0x41: {  	_ =	shalt  }
0x42: {  	_ =	shalt  }
0x43: {  	_ =	shalt  }
0x44: {  	_ =	shalt  }
0x45: {  	_ =	shalt  }
0x46: {  	_ =	shalt  }
0x47: {  	_ =	shalt  }
0x48: {  	_ =	shalt  }
0x49: {  	_ =	shalt  }
0x4a: {  	_ =	shalt  }
0x4b: {  	_ =	shalt  }
0x4c: {  	_ =	shalt  }
0x4d: {  	_ =	shalt  }
0x4e: {  	_ =	shalt  }
0x4f: {  	_ =	shalt  }
0x50: {  	_ =	shalt  }
0x51: {  	_ =	shalt  }
0x52: {  	_ =	shalt  }
0x53: {  	_ =	shalt  }
0x54: {  	_ =	shalt  }
0x55: {  	_ =	shalt  }
0x56: {  	_ =	shalt  }
0x57: {  	_ =	shalt  }
0x58: {  	_ =	shalt  }
0x59: {  	_ =	shalt  }
0x5a: {  	_ =	shalt  }
0x5b: {  	_ =	shalt  }
0x5c: {  	_ =	shalt  }
0x5d: {  	_ =	shalt  }
0x5e: {  	_ =	shalt  }
0x5f: {  	_ =	shalt  }
0x60: {  	_ =	shalt  }
0x61: {  	_ =	shalt  }
0x62: {  	_ =	shalt  }
0x63: {  	_ =	shalt  }
0x64: {  	_ =	shalt  }
0x65: {  	_ =	shalt  }
0x66: {  	_ =	shalt  }
0x67: {  	_ =	shalt  }
0x68: {  	_ =	shalt  }
0x69: {  	_ =	shalt  }
0x6a: {  	_ =	shalt  }
0x6b: {  	_ =	shalt  }
0x6c: {  	_ =	shalt  }
0x6d: {  	_ =	shalt  }
0x6e: {  	_ =	shalt  }
0x6f: {  	_ =	shalt  }
0x70: {  	_ =	shalt  }
0x71: {  	_ =	shalt  }
0x72: {  	_ =	shalt  }
0x73: {  	_ =	shalt  }
0x74: {  	_ =	shalt  }
0x75: {  	_ =	shalt  }
0x76: {  	_ =	shalt  }
0x77: {  	_ =	shalt  }
0x78: {  	_ =	shalt  }
0x79: {  	_ =	shalt  }
0x7a: {  	_ =	shalt  }
0x7b: {  	_ =	shalt  }
0x7c: {  	_ =	shalt  }
0x7d: {  	_ =	shalt  }
0x7e: {  	_ =	shalt  }
0x7f: {  	_ =	shalt  }
0x80: {  	_ =	shalt  }
0x81: {  	_ =	shalt  }
0x82: {  	_ =	shalt  }
0x83: {  	_ =	shalt  }
0x84: {  	_ =	shalt  }
0x85: {  	_ =	shalt  }
0x86: {  	_ =	shalt  }
0x87: {  	_ =	shalt  }
.Lfunc_end0:
.L_simem_size_0:
called_computation.2_lowered:
.L_overlay_start_0:
0x88: {  	s2 =	sld [smem:$0x3FD9]  }
0x89: {  	s3 =	sld [smem:$0x3FFE];
	_ =	sdelay $0x1  }
0x8a: {  	s1 =	srdreg.scid  }
0x8b: {  	s0 =	sand.u32 $0x1, s1  }
0x8c: {  	s17 =	sshll.u32 s0, $0xA;
	s2 =	sadd.s32 s3, s2  }
0x8d: {  	s2 =	sadd.s32 s2, s17  }
0x8e: {  	[smem:$0x3FC5] =	sst s2  }
0x8f: {  	_ = 	snop  }
0x90: {  	s2 =	sld [smem:$0x3FD0];
	(tm) =	ssettm $0x1  }
0x91: {  	s18 =	sld [smem:$0x3FFB];
	_ =	sdelay $0x3  }
0x92: {  	_ =	strace s18  }
0x93: {  	s3 =	sld [smem:$0x3FFC];
	_ =	sdelay $0x3  }
0x94: {  	_ =	strace s3  }
0x95: {  	s3 =	sld [smem:$0x3FFD];
	_ =	sdelay $0x3  }
0x96: {  	_ =	strace s3  }
0x97: {  	_ =	strace $0x8FFFFFFF  }
0x98: {  	s19 =	sld [smem:$0x3FDB];
	_ =	sdelay $0x1  }
0x99: {  	s4 =	simm.s32 $_scs_section_size  }
0x9a: {  	s5 =	simm.s32 $_size__tile_overlayer_lowered;
	s6 =	simm.s32 $_tile_overlayer_lowered  }
0x9b: {  	s22 =	simm.s32 $0x1BFF;
	s21 =	sshll.u32 s6, $0x1;
	s3 =	sadd.s32 s4, s19  }
0x9c: {  	s7 =	simm.s32 $0x0;
	s20 =	sshll.u32 s5, $0x1;
	s5 =	sadd.s32 s21, s3  }
0x9d: {  	[timem:s7], [sflag:s22] =	dma.local [hbm:s5], s20  }
0x9e: {  	_ =	swait.ge [sflag:s22], s20  }
0x9f: {  	s4 =	ssub.s32 $0x0, s20;
	[sflag:s22] =	ssyncset.done $0x0  }
0xa0: {  	[sflag:s22] =	ssyncadd.s32 s4;
	_ =	sdelay $0x1  }
0xa1: {  	s23 =	simm.s32 $0x1B8B  }
0xa2: {  	_ =	swait.ge [sflag:s23], $0x1  }
0xa3: {  	[sflag:s23] =	ssyncset.done $0x0  }
0xa4: {  	s25 =	simm.s32 $0x1B8E;
	s24 =	sld [smem:$0x3FFE];
	[sflag:s23] =	ssyncadd.s32 $0xFFFFFFFF  }
0xa5: {  	s26 =	simm.s32 $execute0_lowered;
	[smem:$0x3FD2] =	sst s25  }
0xa6: {  	s5 =	sshll.u32 s26, $0x1;
	_ =	strace $0x80000049;
	[dreg:$0x1] =	wrdreg $0xFFFFFFFF  }
0xa7: {  	s28 =	simm.s32 $_size_execute0_lowered;
	s3 =	sadd.s32 s3, s5;
	[dreg:$0x0] =	wrdreg $0x0  }
0xa8: {  	s5 =	sshll.u32 s28, $0x1;
	[dreg:$0x2] =	wrdreg s3  }
0xa9: {  	[dreg:$0x3] =	wrdreg s5  }
0xaa: {  	[dreg:$0x4] =	wrdreg $0xC0  }
0xab: {  	_ =	task [dreg:s7], $0x5FFFF  }
0xac: {  	[dreg:$0x1] =	wrdreg $0xFFFFFFFF  }
0xad: {  	[dreg:$0x0] =	wrdreg $0x60  }
0xae: {  	[dreg:$0x2] =	wrdreg s24  }
0xaf: {  	[dreg:$0x3] =	wrdreg s2  }
0xb0: {  	[dreg:$0x4] =	wrdreg $0x9  }
0xb1: {  	_ =	task.clear_ibuf [dreg:s7], $0x5FFFF;
	_ =	strace $0x90000049  }
0xb2: {  	s29 =	simm.s32 $0x9;
	_ =	strace $0x8000004B  }
0xb3: {  	_ =	swait.ge [sflag:s29], $0x1  }
0xb4: {  	[sflag:s29] =	ssyncadd.s32 $0xFFFFFFFF  }
0xb5: {  	_ =	strace $0x9000004B  }
0xb6: {  	_ =	sfence  }
0xb7: {  	s30 =	sld [smem:$0x0];
	_ =	sdelay $0x2  }
0xb8: {  	s31 =	sshll.u32 s1, $0xD;
	s1 =	sshrl.u32 s1, $0x2  }
0xb9: {  	s3 =	sand.u32 $0x4000, s31;
	s1 =	sadd.s32 s1, s30  }
0xba: {  	s0 =	sor.u32 s3, s0;
	s1 =	sshll.u32 s1, $0x11  }
0xbb: {  	s0 =	sor.u32 s1, s0  }
0xbc: {  	s0 =	sadd.s32 $0x8F2B, s0  }
0xbd: {  	[sflag:s0] =	ssyncadd.remote.s32 $0x1  }
0xbe: {  	_ =	sfence.sel $0xFFFF  }
0xbf: {  	[dreg:$0x0] =	wrdreg $0xFFFFFFFF;
	(pc) =	sbr.abs _section_cstart, $3  }
0xc0: {  	[dreg:$0x1] =	wrdreg $0xFFFFFFFF  }
0xc1: {  	_ =	task.clear_ibuf [dreg:s7], $0x2FFFF;
	_ =	strace $0x9FFFFFFF  }
0xc2: {  	(tm) =	ssettm $0x7FFFFFFF  }
0xc3: {  	_ =	shalt  }
tec
execute0_lowered:
.L_overlay_start_1:
0x0: {  	(tag) =	ssettag $0x1  }
0x1: {  	s0 =	rddreg [dreg:$0x0]  }
0x2: {  	s1 =	rddreg [dreg:$0x1]  }
0x3: {  	s3 =	srdreg.scid;
	s11 =	stileid.u32  }
0x4: {  	s2 =	simm.s32 $0x0;
	s8 =	sand.u32 $0x1, s3;
	s25 =	sshll.u32 s11, $0x1  }
0x5: {  	[smem:$0x7FF] =	sst s2;
	s5 =	sor.u32 s8, s25;
	s6 =	ssub.s32 $0x2, s8  }
0x6: {  	s3 =	sadd.s32 $0x27AD400, s0;
	s7 =	smul.u32 $0x1520, s5;
	s9 =	sshrl.u32 s6, $0x1  }
0x7: {  	s4 =	sadd.s32 $0x27D7A00, s0;
	s10 =	smul.u32 $0x1A, s5;
	s26 =	ssub.s32 s6, s9  }
0x8: {  	s5 =	sadd.s32 $0x27D7800, s0;
	s6 =	sadd.s32 s3, s7;
	s0 =	smax.u32 s26, $0x1  }
0x9: {  	_ =	strace $0x8000004A;
	[dreg:$0x3] =	wrdreg s0;
	s28 =	sadd.s32 $0x10, s6  }
0xa: {  	s9 =	sadd.s32 $0x20, s6;
	[dreg:$0x4] =	wrdreg s28  }
0xb: {  	s7 =	sadd.s32 $0x2, s10;
	s10 =	sadd.s32 $0x30, s6;
	[dreg:$0x5] =	wrdreg s9  }
0xc: {  	s12 =	sadd.s32 $0x40, s6;
	[dreg:$0x6] =	wrdreg s10  }
0xd: {  	s13 =	sadd.s32 $0x50, s6;
	[dreg:$0x7] =	wrdreg s12  }
0xe: {  	s14 =	sadd.s32 $0x60, s6;
	[dreg:$0x8] =	wrdreg s13  }
0xf: {  	s16 =	sadd.s32 $0x70, s6;
	[dreg:$0x9] =	wrdreg s14  }
0x10: {  	s15 =	smul.u32 $0x28A000, s11;
	s17 =	sadd.s32 $0x80, s6;
	[dreg:$0xa] =	wrdreg s16  }
0x11: {  	s11 =	simm.s32 $0x500;
	s18 =	sadd.s32 $0x90, s6;
	[dreg:$0xb] =	wrdreg s17  }
0x12: {  	s8 =	smul.u32 $0x145000, s8;
	s19 =	sadd.s32 $0xA0, s6;
	[dreg:$0xc] =	wrdreg s18  }
0x13: {  	s20 =	sadd.s32 $0xB0, s6;
	s21 =	sadd.s32 $0xC0, s6;
	[dreg:$0xd] =	wrdreg s19  }
0x14: {  	s22 =	sadd.s32 $0xD0, s6;
	s0 =	sadd.s32 s8, s15;
	[dreg:$0xe] =	wrdreg s20  }
0x15: {  	s23 =	sadd.s32 $0xE0, s6;
	s24 =	sadd.s32 $0xF0, s6;
	[dreg:$0xf] =	wrdreg s21  }
0x16: {  	s25 =	sadd.s32 $0x100, s6;
	s26 =	sadd.s32 $0x110, s6;
	[dreg:$0x10] =	wrdreg s22  }
0x17: {  	s29 =	sadd.s32 $0x130, s6;
	s30 =	sadd.s32 $0x140, s6;
	[dreg:$0x11] =	wrdreg s23  }
0x18: {  	s31 =	sadd.s32 $0x150, s6;
	s8 =	sadd.s32 $0x180, s6;
	[dreg:$0x12] =	wrdreg s24  }
0x19: {  	s15 =	simm.s32 $0x19D00;
	s0 =	sshrl.u32 s0, $0x3;
	[dreg:$0x13] =	wrdreg s25  }
0x1a: {  	[dreg:$0x14] =	wrdreg s26;
	s28 =	sadd.s32 $0x120, s6;
	s9 =	sadd.s32 $0x190, s6  }
0x1b: {  	s12 =	simm.s32 $0x3;
	s13 =	simm.s32 $0x50;
	s14 =	simm.s32 $0x1  }
0x1c: {  	s16 =	simm.s32 $0x4;
	s17 =	simm.s32 $0x20;
	s18 =	simm.s32 $0x340  }
0x1d: {  	s19 =	simm.s32 $0x2;
	s20 =	simm.s32 $0x0;
	s21 =	sadd.s32 s0, s1  }
0x1e: {  	[dreg:$0x15] =	wrdreg s28;
	s0 =	sadd.s32 $0x160, s6;
	s1 =	sadd.s32 $0x170, s6  }
.LBB2_1:
0x1f: {  	[tilespmem:s2], [sflag:$0x3] =	stream.linear.gather [hbm4b:s6+s2], $0x80, $0x38;
	[tilespmem:$0x19D20] =	vst v63  }
0x20: {  	s10 =	rddreg [dreg:$0x4];
	s22 =	simm.s32 $0x80  }
0x21: {  	[tilespmem:s22], [sflag:$0x3] =	stream.linear.gather [hbm4b:s10+s2], $0x80, $0x38;
	[tilespmem:$0x19D20] =	vst v63  }
0x22: {  	s24 =	rddreg [dreg:$0x5];
	s25 =	simm.s32 $0x100  }
0x23: {  	[tilespmem:s25], [sflag:$0x3] =	stream.linear.gather [hbm4b:s24+s2], $0x80, $0x38;
	[tilespmem:$0x19D20] =	vst v63  }
0x24: {  	s26 =	rddreg [dreg:$0x6];
	s28 =	simm.s32 $0x180  }
0x25: {  	[tilespmem:s28], [sflag:$0x3] =	stream.linear.gather [hbm4b:s26+s2], $0x80, $0x38;
	[tilespmem:$0x19D20] =	vst v63  }
0x26: {  	s23 =	simm.s32 $0x200;
	s22 =	rddreg [dreg:$0x7]  }
0x27: {  	[tilespmem:s23], [sflag:$0x3] =	stream.linear.gather [hbm4b:s22+s2], $0x80, $0x38;
	[tilespmem:$0x19D20] =	vst v63  }
0x28: {  	s24 =	rddreg [dreg:$0x8];
	s22 =	simm.s32 $0x280  }
0x29: {  	[tilespmem:s22], [sflag:$0x3] =	stream.linear.gather [hbm4b:s24+s2], $0x80, $0x38;
	[tilespmem:$0x19D20] =	vst v63  }
0x2a: {  	s25 =	rddreg [dreg:$0x9];
	s23 =	simm.s32 $0x300  }
0x2b: {  	[tilespmem:s23], [sflag:$0x3] =	stream.linear.gather [hbm4b:s25+s2], $0x80, $0x38;
	[tilespmem:$0x19D20] =	vst v63  }
0x2c: {  	s26 =	rddreg [dreg:$0xa];
	s28 =	simm.s32 $0x380  }
0x2d: {  	[tilespmem:s28], [sflag:$0x3] =	stream.linear.gather [hbm4b:s26+s2], $0x80, $0x38;
	[tilespmem:$0x19D20] =	vst v63  }
0x2e: {  	s24 =	simm.s32 $0x400;
	s23 =	rddreg [dreg:$0xb]  }
0x2f: {  	[tilespmem:s24], [sflag:$0x3] =	stream.linear.gather [hbm4b:s23+s2], $0x80, $0x38;
	[tilespmem:$0x19D20] =	vst v63  }
0x30: {  	s25 =	rddreg [dreg:$0xc];
	s26 =	simm.s32 $0x480  }
0x31: {  	[tilespmem:s26], [sflag:$0x3] =	stream.linear.gather [hbm4b:s25+s2], $0x80, $0x38;
	[tilespmem:$0x19D20] =	vst v63  }
0x32: {  	s28 =	rddreg [dreg:$0xd]  }
0x33: {  	[tilespmem:s11], [sflag:$0x3] =	stream.linear.gather [hbm4b:s28+s2], $0x80, $0x38;
	[tilespmem:$0x19D20] =	vst v63  }
0x34: {  	s23 =	rddreg [dreg:$0xe];
	s24 =	simm.s32 $0x580  }
0x35: {  	[tilespmem:s24], [sflag:$0x3] =	stream.linear.gather [hbm4b:s23+s2], $0x80, $0x38;
	[tilespmem:$0x19D20] =	vst v63  }
0x36: {  	s25 =	rddreg [dreg:$0xf];
	s26 =	simm.s32 $0x600  }
0x37: {  	[tilespmem:s26], [sflag:$0x3] =	stream.linear.gather [hbm4b:s25+s2], $0x80, $0x38;
	[tilespmem:$0x19D20] =	vst v63  }
0x38: {  	_ =	swait.ge [sflag:s12], $0x80  }
0x39: {  	[sflag:s12] =	ssyncset.done $0x0  }
0x3a: {  	[sflag:s12] =	ssyncadd.s32 $0xFFFFFF80  }
0x3b: {  	_ =	swait.ge [sflag:s12], $0x80  }
0x3c: {  	[sflag:s12] =	ssyncset.done $0x0  }
0x3d: {  	[sflag:s12] =	ssyncadd.s32 $0xFFFFFF80  }
0x3e: {  	_ =	swait.ge [sflag:s12], $0x80  }
0x3f: {  	[sflag:s12] =	ssyncset.done $0x0  }
0x40: {  	[sflag:s12] =	ssyncadd.s32 $0xFFFFFF80  }
0x41: {  	_ =	swait.ge [sflag:s12], $0x80  }
0x42: {  	[sflag:s12] =	ssyncset.done $0x0  }
0x43: {  	[sflag:s12] =	ssyncadd.s32 $0xFFFFFF80  }
0x44: {  	_ =	swait.ge [sflag:s12], $0x80  }
0x45: {  	[sflag:s12] =	ssyncset.done $0x0  }
0x46: {  	[sflag:s12] =	ssyncadd.s32 $0xFFFFFF80  }
0x47: {  	_ =	swait.ge [sflag:s12], $0x80  }
0x48: {  	[sflag:s12] =	ssyncset.done $0x0  }
0x49: {  	[sflag:s12] =	ssyncadd.s32 $0xFFFFFF80  }
0x4a: {  	_ =	swait.ge [sflag:s12], $0x80  }
0x4b: {  	[sflag:s12] =	ssyncset.done $0x0  }
0x4c: {  	[sflag:s12] =	ssyncadd.s32 $0xFFFFFF80  }
0x4d: {  	_ =	swait.ge [sflag:s12], $0x80  }
0x4e: {  	[sflag:s12] =	ssyncset.done $0x0  }
0x4f: {  	[sflag:s12] =	ssyncadd.s32 $0xFFFFFF80  }
0x50: {  	_ =	swait.ge [sflag:s12], $0x80  }
0x51: {  	[sflag:s12] =	ssyncset.done $0x0  }
0x52: {  	[sflag:s12] =	ssyncadd.s32 $0xFFFFFF80  }
0x53: {  	_ =	swait.ge [sflag:s12], $0x80  }
0x54: {  	[sflag:s12] =	ssyncset.done $0x0  }
0x55: {  	[sflag:s12] =	ssyncadd.s32 $0xFFFFFF80  }
0x56: {  	_ =	swait.ge [sflag:s12], $0x80  }
0x57: {  	[sflag:s12] =	ssyncset.done $0x0  }
0x58: {  	[sflag:s12] =	ssyncadd.s32 $0xFFFFFF80  }
0x59: {  	_ =	swait.ge [sflag:s12], $0x80  }
0x5a: {  	[sflag:s12] =	ssyncset.done $0x0  }
0x5b: {  	[sflag:s12] =	ssyncadd.s32 $0xFFFFFF80  }
0x5c: {  	_ =	swait.ge [sflag:s12], $0x80  }
0x5d: {  	[sflag:s12] =	ssyncset.done $0x0  }
0x5e: {  	s28 =	simm.s32 $0xD00;
	[sflag:s12] =	ssyncadd.s32 $0xFFFFFF80  }
0x5f: {  	[tilespmem:s28], [sflag:$0x1] =	stream.indirect.gather [hbm4b:s4+s13], $0x20, s2, s13, $0xb8;
	[tilespmem:$0x19D20] =	vst v63  }
0x60: {  	s23 =	simm.s32 $0x1700  }
0x61: {  	[tilespmem:s23], [sflag:$0x1] =	stream.indirect.gather [hbm4b:s4+s13], $0x20, s13, s13, $0xb8;
	[tilespmem:$0x19D20] =	vst v63  }
0x62: {  	s24 =	simm.s32 $0xA0;
	s25 =	simm.s32 $0x2100  }
0x63: {  	[tilespmem:s25], [sflag:$0x1] =	stream.indirect.gather [hbm4b:s4+s13], $0x20, s24, s13, $0xb8;
	[tilespmem:$0x19D20] =	vst v63  }
0x64: {  	s26 =	simm.s32 $0xF0;
	s28 =	simm.s32 $0x2B00  }
0x65: {  	[tilespmem:s28], [sflag:$0x1] =	stream.indirect.gather [hbm4b:s4+s13], $0x20, s26, s13, $0xb8;
	[tilespmem:$0x19D20] =	vst v63  }
0x66: {  	s24 =	simm.s32 $0x140;
	s25 =	simm.s32 $0x3500  }
0x67: {  	[tilespmem:s25], [sflag:$0x1] =	stream.indirect.gather [hbm4b:s4+s13], $0x20, s24, s13, $0xb8;
	[tilespmem:$0x19D20] =	vst v63  }
0x68: {  	s26 =	simm.s32 $0x190;
	s28 =	simm.s32 $0x3F00  }
0x69: {  	[tilespmem:s28], [sflag:$0x1] =	stream.indirect.gather [hbm4b:s4+s13], $0x20, s26, s13, $0xb8;
	[tilespmem:$0x19D20] =	vst v63  }
0x6a: {  	s23 =	simm.s32 $0x1E0;
	s24 =	simm.s32 $0x4900  }
0x6b: {  	[tilespmem:s24], [sflag:$0x1] =	stream.indirect.gather [hbm4b:s4+s13], $0x20, s23, s13, $0xb8;
	[tilespmem:$0x19D20] =	vst v63  }
0x6c: {  	s25 =	simm.s32 $0x230;
	s26 =	simm.s32 $0x5300  }
0x6d: {  	[tilespmem:s26], [sflag:$0x1] =	stream.indirect.gather [hbm4b:s4+s13], $0x20, s25, s13, $0xb8;
	[tilespmem:$0x19D20] =	vst v63  }
0x6e: {  	s28 =	simm.s32 $0x5D00  }
0x6f: {  	[tilespmem:s28], [sflag:$0x1] =	stream.indirect.gather [hbm4b:s4+s13], $0x20, s22, s13, $0xb8;
	[tilespmem:$0x19D20] =	vst v63  }
0x70: {  	s23 =	simm.s32 $0x6700;
	s22 =	simm.s32 $0x2D0  }
0x71: {  	[tilespmem:s23], [sflag:$0x1] =	stream.indirect.gather [hbm4b:s4+s13], $0x20, s22, s13, $0xb8;
	[tilespmem:$0x19D20] =	vst v63  }
0x72: {  	s24 =	simm.s32 $0x320;
	s25 =	simm.s32 $0x7100  }
0x73: {  	[tilespmem:s25], [sflag:$0x1] =	stream.indirect.gather [hbm4b:s4+s13], $0x20, s24, s13, $0xb8;
	[tilespmem:$0x19D20] =	vst v63  }
0x74: {  	s26 =	simm.s32 $0x370;
	s28 =	simm.s32 $0x7B00  }
0x75: {  	[tilespmem:s28], [sflag:$0x1] =	stream.indirect.gather [hbm4b:s4+s13], $0x20, s26, s13, $0xb8;
	[tilespmem:$0x19D20] =	vst v63  }
0x76: {  	s22 =	simm.s32 $0x3C0;
	s23 =	simm.s32 $0x8500  }
0x77: {  	[tilespmem:s23], [sflag:$0x1] =	stream.indirect.gather [hbm4b:s4+s13], $0x20, s22, s13, $0xb8;
	[tilespmem:$0x19D20] =	vst v63  }
0x78: {  	s24 =	simm.s32 $0x410;
	s25 =	simm.s32 $0x8F00  }
0x79: {  	[tilespmem:s25], [sflag:$0x1] =	stream.indirect.gather [hbm4b:s4+s13], $0x20, s24, s13, $0xb8;
	[tilespmem:$0x19D20] =	vst v63  }
0x7a: {  	s26 =	simm.s32 $0x460;
	s28 =	simm.s32 $0x9900  }
0x7b: {  	[tilespmem:s28], [sflag:$0x1] =	stream.indirect.gather [hbm4b:s4+s13], $0x20, s26, s13, $0xb8;
	[tilespmem:$0x19D20] =	vst v63  }
0x7c: {  	s23 =	simm.s32 $0x4B0;
	s24 =	simm.s32 $0xA300  }
0x7d: {  	[tilespmem:s24], [sflag:$0x1] =	stream.indirect.gather [hbm4b:s4+s13], $0x20, s23, s13, $0xb8;
	[tilespmem:$0x19D20] =	vst v63  }
0x7e: {  	s25 =	simm.s32 $0xAD00  }
0x7f: {  	[tilespmem:s25], [sflag:$0x1] =	stream.indirect.gather [hbm4b:s4+s13], $0x20, s11, s13, $0xb8;
	[tilespmem:$0x19D20] =	vst v63  }
0x80: {  	s26 =	simm.s32 $0x550;
	s28 =	simm.s32 $0xB700  }
0x81: {  	[tilespmem:s28], [sflag:$0x1] =	stream.indirect.gather [hbm4b:s4+s13], $0x20, s26, s13, $0xb8;
	[tilespmem:$0x19D20] =	vst v63  }
0x82: {  	s22 =	simm.s32 $0x5A0;
	s23 =	simm.s32 $0xC100  }
0x83: {  	[tilespmem:s23], [sflag:$0x1] =	stream.indirect.gather [hbm4b:s4+s13], $0x20, s22, s13, $0xb8;
	[tilespmem:$0x19D20] =	vst v63  }
0x84: {  	s24 =	simm.s32 $0x5F0;
	s25 =	simm.s32 $0xCB00  }
0x85: {  	[tilespmem:s25], [sflag:$0x1] =	stream.indirect.gather [hbm4b:s4+s13], $0x20, s24, s13, $0xb8;
	[tilespmem:$0x19D20] =	vst v63  }
0x86: {  	s26 =	rddreg [dreg:$0x10];
	s28 =	simm.s32 $0x680  }
0x87: {  	[tilespmem:s28], [sflag:$0x3] =	stream.linear.gather [hbm4b:s26+s2], $0x80, $0x38;
	[tilespmem:$0x19D20] =	vst v63  }
0x88: {  	s22 =	rddreg [dreg:$0x11];
	s23 =	simm.s32 $0x700  }
0x89: {  	[tilespmem:s23], [sflag:$0x3] =	stream.linear.gather [hbm4b:s22+s2], $0x80, $0x38;
	[tilespmem:$0x19D20] =	vst v63  }
0x8a: {  	s24 =	rddreg [dreg:$0x12];
	s25 =	simm.s32 $0x780  }
0x8b: {  	[tilespmem:s25], [sflag:$0x3] =	stream.linear.gather [hbm4b:s24+s2], $0x80, $0x38;
	[tilespmem:$0x19D20] =	vst v63  }
0x8c: {  	s26 =	rddreg [dreg:$0x13];
	s28 =	simm.s32 $0x800  }
0x8d: {  	[tilespmem:s28], [sflag:$0x3] =	stream.linear.gather [hbm4b:s26+s2], $0x80, $0x38;
	[tilespmem:$0x19D20] =	vst v63  }
0x8e: {  	s23 =	rddreg [dreg:$0x14];
	s24 =	simm.s32 $0x880  }
0x8f: {  	[tilespmem:s24], [sflag:$0x3] =	stream.linear.gather [hbm4b:s23+s2], $0x80, $0x38;
	[tilespmem:$0x19D20] =	vst v63  }
0x90: {  	s25 =	rddreg [dreg:$0x15];
	s26 =	simm.s32 $0x900  }
0x91: {  	[tilespmem:s26], [sflag:$0x3] =	stream.linear.gather [hbm4b:s25+s2], $0x80, $0x38;
	[tilespmem:$0x19D20] =	vst v63  }
0x92: {  	s28 =	simm.s32 $0x980  }
0x93: {  	[tilespmem:s28], [sflag:$0x3] =	stream.linear.gather [hbm4b:s29+s2], $0x80, $0x38;
	[tilespmem:$0x19D20] =	vst v63  }
0x94: {  	s22 =	simm.s32 $0xA00  }
0x95: {  	[tilespmem:s22], [sflag:$0x3] =	stream.linear.gather [hbm4b:s30+s2], $0x80, $0x38;
	[tilespmem:$0x19D20] =	vst v63  }
0x96: {  	s23 =	simm.s32 $0xA80  }
0x97: {  	[tilespmem:s23], [sflag:$0x3] =	stream.linear.gather [hbm4b:s31+s2], $0x80, $0x38;
	[tilespmem:$0x19D20] =	vst v63  }
0x98: {  	s24 =	simm.s32 $0xB00  }
0x99: {  	[tilespmem:s24], [sflag:$0x3] =	stream.linear.gather [hbm4b:s0+s2], $0x80, $0x38;
	[tilespmem:$0x19D20] =	vst v63  }
0x9a: {  	s25 =	simm.s32 $0xB80  }
0x9b: {  	[tilespmem:s25], [sflag:$0x3] =	stream.linear.gather [hbm4b:s1+s2], $0x80, $0x38;
	[tilespmem:$0x19D20] =	vst v63  }
0x9c: {  	p0 =	por $0x0, $0x0;
	s26 =	simm.s32 $0xC00  }
0x9d: {  	[tilespmem:s26], [sflag:$0x3] =	stream.linear.gather [hbm4b:s8+s2], $0x80, $0x38;
	[tilespmem:$0x19D20] =	vst v63  }
0x9e: {  	s28 =	simm.s32 $0xC80;
	s23 =	simm.s32 $0x0;
	s24 =	smov.u32 s21  }
0x9f: {  	[tilespmem:s28], [sflag:$0x3] =	stream.linear.gather [hbm4b:s9+s2], $0x80, $0x38;
	[tilespmem:$0x19D20] =	vst v63  }
.LBB2_3:
0xa0: {  	p1 =	seq.s32 s23, $0x0  }
0xa1: {  	p2 =	seq.s32 @!p1 s23, $0x19  }
0xa2: {  	p2 =	por p1, !p2  }
.Ltmp0:
0xa3: {  	_ = 	snop;
	(pc) =	sbr.rel @!p2 .LBB2_5-.Ltmp0, $4  }
0xa4: {  	s25 =	simm.s32 @!p1 $0x2  }
0xa5: {  	_ =	swait.ge @!p1 [sflag:s25], $0xC800  }
0xa6: {  	[sflag:s25] =	ssyncset.done @!p1 $0x0  }
0xa7: {  	s22 =	sadd.s32 $0x1, s23;
	[sflag:s25] =	ssyncadd.s32 @!p1 $0xFFFF3800  }
0xa8: {  	_ =	swait.ge [sflag:s12], $0x80  }
0xa9: {  	[sflag:s12] =	ssyncset.done $0x0  }
0xaa: {  	[sflag:s12] =	ssyncadd.s32 $0xFFFFFF80  }
0xab: {  	_ =	swait.ge [sflag:s12], $0x80  }
0xac: {  	[sflag:s12] =	ssyncset.done $0x0  }
0xad: {  	[sflag:s12] =	ssyncadd.s32 $0xFFFFFF80  }
0xae: {  	_ =	swait.ge [sflag:s12], $0x80  }
0xaf: {  	[sflag:s12] =	ssyncset.done $0x0  }
0xb0: {  	[sflag:s12] =	ssyncadd.s32 $0xFFFFFF80  }
0xb1: {  	_ =	swait.ge [sflag:s12], $0x80  }
0xb2: {  	[sflag:s12] =	ssyncset.done $0x0  }
0xb3: {  	[sflag:s12] =	ssyncadd.s32 $0xFFFFFF80  }
0xb4: {  	_ =	swait.ge [sflag:s12], $0x80  }
0xb5: {  	[sflag:s12] =	ssyncset.done $0x0  }
0xb6: {  	[sflag:s12] =	ssyncadd.s32 $0xFFFFFF80  }
0xb7: {  	_ =	swait.ge [sflag:s12], $0x80  }
0xb8: {  	[sflag:s12] =	ssyncset.done $0x0  }
0xb9: {  	[sflag:s12] =	ssyncadd.s32 $0xFFFFFF80  }
0xba: {  	_ =	swait.ge [sflag:s12], $0x80  }
0xbb: {  	[sflag:s12] =	ssyncset.done $0x0  }
0xbc: {  	[sflag:s12] =	ssyncadd.s32 $0xFFFFFF80  }
0xbd: {  	_ =	swait.ge [sflag:s12], $0x80  }
0xbe: {  	[sflag:s12] =	ssyncset.done $0x0  }
0xbf: {  	[sflag:s12] =	ssyncadd.s32 $0xFFFFFF80  }
0xc0: {  	_ =	swait.ge [sflag:s12], $0x80  }
0xc1: {  	[sflag:s12] =	ssyncset.done $0x0  }
0xc2: {  	[sflag:s12] =	ssyncadd.s32 $0xFFFFFF80  }
0xc3: {  	_ =	swait.ge [sflag:s12], $0x80  }
0xc4: {  	[sflag:s12] =	ssyncset.done $0x0  }
0xc5: {  	[sflag:s12] =	ssyncadd.s32 $0xFFFFFF80  }
0xc6: {  	_ =	swait.ge [sflag:s12], $0x80  }
0xc7: {  	[sflag:s12] =	ssyncset.done $0x0  }
0xc8: {  	[sflag:s12] =	ssyncadd.s32 $0xFFFFFF80  }
0xc9: {  	_ =	swait.ge [sflag:s12], $0x80  }
0xca: {  	s25 =	sand.u32 $0x1, s22;
	[sflag:s12] =	ssyncset.done $0x0  }
0xcb: {  	s26 =	smul.u32 $0x32000, s25;
	[sflag:s12] =	ssyncadd.s32 $0xFFFFFF80  }
0xcc: {  	s25 =	smul.u32 $0x1A00, s25;
	_ =	swait.ge [sflag:s12], $0x80  }
0xcd: {  	s26 =	sshrl.u32 s26, $0x2;
	[sflag:s12] =	ssyncset.done $0x0  }
0xce: {  	s25 =	sshrl.u32 s25, $0x2;
	s28 =	sadd.s32 $0xD00, s26;
	[sflag:s12] =	ssyncadd.s32 $0xFFFFFF80  }
0xcf: {  	[tilespmem:s28], [sflag:$0x1] =	stream.indirect.gather [hbm4b:s4+s13], $0x20, s25, s13, $0xb8;
	[tilespmem:$0x19D20] =	vst v63  }
0xd0: {  	s10 =	sor.u32 $0x50, s25;
	s28 =	sadd.s32 $0x1700, s26  }
0xd1: {  	[tilespmem:s28], [sflag:$0x1] =	stream.indirect.gather [hbm4b:s4+s13], $0x20, s10, s13, $0xb8;
	[tilespmem:$0x19D20] =	vst v63  }
0xd2: {  	s10 =	sadd.s32 $0x2100, s26;
	s28 =	sadd.s32 $0xA0, s25  }
0xd3: {  	[tilespmem:s10], [sflag:$0x1] =	stream.indirect.gather [hbm4b:s4+s13], $0x20, s28, s13, $0xb8;
	[tilespmem:$0x19D20] =	vst v63  }
0xd4: {  	s10 =	sadd.s32 $0x2B00, s26;
	s28 =	sadd.s32 $0xF0, s25  }
0xd5: {  	[tilespmem:s10], [sflag:$0x1] =	stream.indirect.gather [hbm4b:s4+s13], $0x20, s28, s13, $0xb8;
	[tilespmem:$0x19D20] =	vst v63  }
0xd6: {  	s10 =	sadd.s32 $0x3500, s26;
	s28 =	sadd.s32 $0x140, s25  }
0xd7: {  	[tilespmem:s10], [sflag:$0x1] =	stream.indirect.gather [hbm4b:s4+s13], $0x20, s28, s13, $0xb8;
	[tilespmem:$0x19D20] =	vst v63  }
0xd8: {  	s10 =	sadd.s32 $0x3F00, s26;
	s28 =	sadd.s32 $0x190, s25  }
0xd9: {  	[tilespmem:s10], [sflag:$0x1] =	stream.indirect.gather [hbm4b:s4+s13], $0x20, s28, s13, $0xb8;
	[tilespmem:$0x19D20] =	vst v63  }
0xda: {  	s10 =	sadd.s32 $0x4900, s26;
	s28 =	sadd.s32 $0x1E0, s25  }
0xdb: {  	[tilespmem:s10], [sflag:$0x1] =	stream.indirect.gather [hbm4b:s4+s13], $0x20, s28, s13, $0xb8;
	[tilespmem:$0x19D20] =	vst v63  }
0xdc: {  	s10 =	sadd.s32 $0x5300, s26;
	s28 =	sadd.s32 $0x230, s25  }
0xdd: {  	[tilespmem:s10], [sflag:$0x1] =	stream.indirect.gather [hbm4b:s4+s13], $0x20, s28, s13, $0xb8;
	[tilespmem:$0x19D20] =	vst v63  }
0xde: {  	s10 =	sadd.s32 $0x5D00, s26;
	s28 =	sadd.s32 $0x280, s25  }
0xdf: {  	[tilespmem:s10], [sflag:$0x1] =	stream.indirect.gather [hbm4b:s4+s13], $0x20, s28, s13, $0xb8;
	[tilespmem:$0x19D20] =	vst v63  }
0xe0: {  	s10 =	sadd.s32 $0x6700, s26;
	s28 =	sadd.s32 $0x2D0, s25  }
0xe1: {  	[tilespmem:s10], [sflag:$0x1] =	stream.indirect.gather [hbm4b:s4+s13], $0x20, s28, s13, $0xb8;
	[tilespmem:$0x19D20] =	vst v63  }
0xe2: {  	s10 =	sadd.s32 $0x7100, s26;
	s28 =	sadd.s32 $0x320, s25  }
0xe3: {  	[tilespmem:s10], [sflag:$0x1] =	stream.indirect.gather [hbm4b:s4+s13], $0x20, s28, s13, $0xb8;
	[tilespmem:$0x19D20] =	vst v63  }
0xe4: {  	s10 =	sadd.s32 $0x7B00, s26;
	s28 =	sadd.s32 $0x370, s25  }
0xe5: {  	[tilespmem:s10], [sflag:$0x1] =	stream.indirect.gather [hbm4b:s4+s13], $0x20, s28, s13, $0xb8;
	[tilespmem:$0x19D20] =	vst v63  }
0xe6: {  	s10 =	sadd.s32 $0x8500, s26;
	s28 =	sadd.s32 $0x3C0, s25  }
0xe7: {  	[tilespmem:s10], [sflag:$0x1] =	stream.indirect.gather [hbm4b:s4+s13], $0x20, s28, s13, $0xb8;
	[tilespmem:$0x19D20] =	vst v63  }
0xe8: {  	s10 =	sadd.s32 $0x8F00, s26;
	s28 =	sadd.s32 $0x410, s25  }
0xe9: {  	[tilespmem:s10], [sflag:$0x1] =	stream.indirect.gather [hbm4b:s4+s13], $0x20, s28, s13, $0xb8;
	[tilespmem:$0x19D20] =	vst v63  }
0xea: {  	s10 =	sadd.s32 $0x9900, s26;
	s28 =	sadd.s32 $0x460, s25  }
0xeb: {  	[tilespmem:s10], [sflag:$0x1] =	stream.indirect.gather [hbm4b:s4+s13], $0x20, s28, s13, $0xb8;
	[tilespmem:$0x19D20] =	vst v63  }
0xec: {  	s10 =	sadd.s32 $0xA300, s26;
	s28 =	sadd.s32 $0x4B0, s25  }
0xed: {  	[tilespmem:s10], [sflag:$0x1] =	stream.indirect.gather [hbm4b:s4+s13], $0x20, s28, s13, $0xb8;
	[tilespmem:$0x19D20] =	vst v63  }
0xee: {  	s10 =	sadd.s32 $0xAD00, s26;
	s28 =	sadd.s32 $0x500, s25  }
0xef: {  	[tilespmem:s10], [sflag:$0x1] =	stream.indirect.gather [hbm4b:s4+s13], $0x20, s28, s13, $0xb8;
	[tilespmem:$0x19D20] =	vst v63  }
0xf0: {  	s10 =	sadd.s32 $0xB700, s26;
	s28 =	sadd.s32 $0x550, s25  }
0xf1: {  	[tilespmem:s10], [sflag:$0x1] =	stream.indirect.gather [hbm4b:s4+s13], $0x20, s28, s13, $0xb8;
	[tilespmem:$0x19D20] =	vst v63  }
0xf2: {  	s10 =	sadd.s32 $0xC100, s26;
	s28 =	sadd.s32 $0x5A0, s25  }
0xf3: {  	[tilespmem:s10], [sflag:$0x1] =	stream.indirect.gather [hbm4b:s4+s13], $0x20, s28, s13, $0xb8;
	[tilespmem:$0x19D20] =	vst v63  }
0xf4: {  	s25 =	sadd.s32 $0x5F0, s25;
	s28 =	sadd.s32 $0xCB00, s26  }
0xf5: {  	[tilespmem:s28], [sflag:$0x1] =	stream.indirect.gather [hbm4b:s4+s13], $0x20, s25, s13, $0xb8;
	[tilespmem:$0x19D20] =	vst v63  }
.LBB2_5:
0xf6: {  	p1 =	sgt.u32 s23, $0x17  }
.Ltmp1:
0xf7: {  	_ = 	snop;
	(pc) =	sbr.rel @p1 .LBB2_7-.Ltmp1, $4  }
0xf8: {  	_ = 	snop  }
0xf9: {  	_ =	swait.ge [sflag:s14], $0xC800  }
0xfa: {  	[sflag:s14] =	ssyncset.done $0x0  }
0xfb: {  	[sflag:s14] =	ssyncadd.s32 $0xFFFF3800  }
0xfc: {  	s10 =	sadd.s32 s23, s7  }
0xfd: {  	s25 =	sand.u32 $0x1, s23;
	s10 =	smul.u32 $0xD0, s10  }
0xfe: {  	s25 =	smul.u32 $0x1A00, s25  }
0xff: {  	s26 =	sand.u32 $0x1FFFFFF0, s10  }
0x100: {  	s25 =	sshrl.u32 s25, $0x2;
	s28 =	sadd.s32 $0x10, s10;
	s26 =	sadd.s32 s3, s26  }
0x101: {  	[tilespmem:s25], [sflag:$0x3] =	stream.linear.gather [hbm4b:s26+s2], $0x80, $0x38;
	[tilespmem:$0x19D20] =	vst v63  }
0x102: {  	s26 =	sand.u32 $0x1FFFFFF0, s28  }
0x103: {  	s28 =	sadd.s32 $0x80, s25;
	s26 =	sadd.s32 s3, s26  }
0x104: {  	[tilespmem:s28], [sflag:$0x3] =	stream.linear.gather [hbm4b:s26+s2], $0x80, $0x38;
	[tilespmem:$0x19D20] =	vst v63  }
0x105: {  	s28 =	sadd.s32 $0x20, s10  }
0x106: {  	s26 =	sand.u32 $0x1FFFFFF0, s28  }
0x107: {  	s28 =	sadd.s32 $0x100, s25;
	s26 =	sadd.s32 s3, s26  }
0x108: {  	[tilespmem:s28], [sflag:$0x3] =	stream.linear.gather [hbm4b:s26+s2], $0x80, $0x38;
	[tilespmem:$0x19D20] =	vst v63  }
0x109: {  	s28 =	sadd.s32 $0x30, s10  }
0x10a: {  	s26 =	sand.u32 $0x1FFFFFF0, s28  }
0x10b: {  	s28 =	sadd.s32 $0x180, s25;
	s26 =	sadd.s32 s3, s26  }
0x10c: {  	[tilespmem:s28], [sflag:$0x3] =	stream.linear.gather [hbm4b:s26+s2], $0x80, $0x38;
	[tilespmem:$0x19D20] =	vst v63  }
0x10d: {  	s28 =	sadd.s32 $0x40, s10  }
0x10e: {  	s26 =	sand.u32 $0x1FFFFFF0, s28  }
0x10f: {  	s28 =	sadd.s32 $0x200, s25;
	s26 =	sadd.s32 s3, s26  }
0x110: {  	[tilespmem:s28], [sflag:$0x3] =	stream.linear.gather [hbm4b:s26+s2], $0x80, $0x38;
	[tilespmem:$0x19D20] =	vst v63  }
0x111: {  	s28 =	sadd.s32 $0x50, s10  }
0x112: {  	s26 =	sand.u32 $0x1FFFFFF0, s28  }
0x113: {  	s28 =	sadd.s32 $0x280, s25;
	s26 =	sadd.s32 s3, s26  }
0x114: {  	[tilespmem:s28], [sflag:$0x3] =	stream.linear.gather [hbm4b:s26+s2], $0x80, $0x38;
	[tilespmem:$0x19D20] =	vst v63  }
0x115: {  	s28 =	sadd.s32 $0x60, s10  }
0x116: {  	s26 =	sand.u32 $0x1FFFFFF0, s28  }
0x117: {  	s28 =	sadd.s32 $0x300, s25;
	s26 =	sadd.s32 s3, s26  }
0x118: {  	[tilespmem:s28], [sflag:$0x3] =	stream.linear.gather [hbm4b:s26+s2], $0x80, $0x38;
	[tilespmem:$0x19D20] =	vst v63  }
0x119: {  	s28 =	sadd.s32 $0x70, s10  }
0x11a: {  	s26 =	sand.u32 $0x1FFFFFF0, s28  }
0x11b: {  	s28 =	sadd.s32 $0x380, s25;
	s26 =	sadd.s32 s3, s26  }
0x11c: {  	[tilespmem:s28], [sflag:$0x3] =	stream.linear.gather [hbm4b:s26+s2], $0x80, $0x38;
	[tilespmem:$0x19D20] =	vst v63  }
0x11d: {  	s28 =	sadd.s32 $0x80, s10  }
0x11e: {  	s26 =	sand.u32 $0x1FFFFFF0, s28  }
0x11f: {  	s28 =	sadd.s32 $0x400, s25;
	s26 =	sadd.s32 s3, s26  }
0x120: {  	[tilespmem:s28], [sflag:$0x3] =	stream.linear.gather [hbm4b:s26+s2], $0x80, $0x38;
	[tilespmem:$0x19D20] =	vst v63  }
0x121: {  	s28 =	sadd.s32 $0x90, s10  }
0x122: {  	s26 =	sand.u32 $0x1FFFFFF0, s28  }
0x123: {  	s28 =	sadd.s32 $0x480, s25;
	s26 =	sadd.s32 s3, s26  }
0x124: {  	[tilespmem:s28], [sflag:$0x3] =	stream.linear.gather [hbm4b:s26+s2], $0x80, $0x38;
	[tilespmem:$0x19D20] =	vst v63  }
0x125: {  	s28 =	sadd.s32 $0xA0, s10  }
0x126: {  	s26 =	sand.u32 $0x1FFFFFF0, s28  }
0x127: {  	s28 =	sadd.s32 $0x500, s25;
	s26 =	sadd.s32 s3, s26  }
0x128: {  	[tilespmem:s28], [sflag:$0x3] =	stream.linear.gather [hbm4b:s26+s2], $0x80, $0x38;
	[tilespmem:$0x19D20] =	vst v63  }
0x129: {  	s28 =	sadd.s32 $0xB0, s10  }
0x12a: {  	s10 =	sadd.s32 $0xC0, s10;
	s26 =	sand.u32 $0x1FFFFFF0, s28  }
0x12b: {  	s28 =	sadd.s32 $0x580, s25;
	s10 =	sand.u32 $0x1FFFFFF0, s10;
	s26 =	sadd.s32 s3, s26  }
0x12c: {  	[tilespmem:s28], [sflag:$0x3] =	stream.linear.gather [hbm4b:s26+s2], $0x80, $0x38;
	[tilespmem:$0x19D20] =	vst v63  }
0x12d: {  	s25 =	sadd.s32 $0x600, s25;
	s10 =	sadd.s32 s3, s10  }
0x12e: {  	[tilespmem:s25], [sflag:$0x3] =	stream.linear.gather [hbm4b:s10+s2], $0x80, $0x38;
	[tilespmem:$0x19D20] =	vst v63  }
.LBB2_7:
0x12f: {  	s10 =	simm.s32 $0x1  }
0x130: {  	s10 =	simm.s32 @!p0 $0x0  }
0x131: {  	s10 =	smul.u32 $0x32000, s10;
	_ =	sdelay $0x1  }
0x132: {  	s23 =	sshll.u32 s23, $0x2;
	s10 =	sshrl.u32 s10, $0x2  }
0x133: {  	s26 =	simm.s32 $0x0;
	s23 =	sadd.s32 s5, s23;
	s25 =	sadd.s32 $0xD80, s10  }
0x134: {  	[tilespmem:s15], [sflag:$0x4] =	stream.linear.gather [hbm4b:s23+s26], $0x20, $0x38;
	v0 =	vmov s25;
	[tilespmem:$0x19D20] =	vst v63  }
0x135: {  	_ =	swait.ge [sflag:s16], $0x20  }
0x136: {  	[sflag:s16] =	ssyncset.done $0x0  }
0x137: {  	[sflag:s16] =	ssyncadd.s32 $0xFFFFFFE0  }
0x138: {  	v1 =	vld [tilespmem:$0x19D00];
	s25 =	simm.s32 $0x0  }
0x139: {  	v2 =	vld.idx.msk [tilespmem:v0+s25+$0xFFFFFF80 ss:$0x1], $0xffff;
	_ =	sdelay $0x4  }
0x13a: {  	v3 =	vadd.f32 v2, v1;
	_ =	sdelay $0x1  }
0x13b: {  	v2 =	vld [tilespmem:$0x19D10];
	[tilespmem:v0+s25+$0xFFFFFF80 ss:$0x1] =	vst.idx.msk $0xffff, v3  }
0x13c: {  	v3 =	vld.idx.msk [tilespmem:v0+s25+$0xFFFFFF90 ss:$0x1], $0xffff;
	_ =	sdelay $0x4  }
0x13d: {  	v3 =	vadd.f32 v3, v2;
	_ =	sdelay $0x1  }
0x13e: {  	[tilespmem:v0+s25+$0xFFFFFF90 ss:$0x1] =	vst.idx.msk $0xffff, v3  }
0x13f: {  	v3 =	vld.idx.msk [tilespmem:v0+s25+$0xFFFFFFA0 ss:$0x1], $0xffff;
	_ =	sdelay $0x4  }
0x140: {  	v3 =	vadd.f32 v3, v1;
	_ =	sdelay $0x1  }
0x141: {  	[tilespmem:v0+s25+$0xFFFFFFA0 ss:$0x1] =	vst.idx.msk $0xffff, v3  }
0x142: {  	v3 =	vld.idx.msk [tilespmem:v0+s25+$0xFFFFFFB0 ss:$0x1], $0xffff;
	_ =	sdelay $0x4  }
0x143: {  	v3 =	vadd.f32 v3, v2;
	_ =	sdelay $0x1  }
0x144: {  	[tilespmem:v0+s25+$0xFFFFFFB0 ss:$0x1] =	vst.idx.msk $0xffff, v3  }
0x145: {  	v3 =	vld.idx.msk [tilespmem:v0+s25+$0xFFFFFFC0 ss:$0x1], $0xffff;
	_ =	sdelay $0x4  }
0x146: {  	v3 =	vadd.f32 v3, v1;
	_ =	sdelay $0x1  }
0x147: {  	[tilespmem:v0+s25+$0xFFFFFFC0 ss:$0x1] =	vst.idx.msk $0xffff, v3  }
0x148: {  	v3 =	vld.idx.msk [tilespmem:v0+s25+$0xFFFFFFD0 ss:$0x1], $0xffff;
	_ =	sdelay $0x4  }
0x149: {  	v3 =	vadd.f32 v3, v2;
	_ =	sdelay $0x1  }
0x14a: {  	[tilespmem:v0+s25+$0xFFFFFFD0 ss:$0x1] =	vst.idx.msk $0xffff, v3  }
0x14b: {  	v3 =	vld.idx.msk [tilespmem:v0+s25+$0xFFFFFFE0 ss:$0x1], $0xffff;
	_ =	sdelay $0x4  }
0x14c: {  	v3 =	vadd.f32 v3, v1;
	_ =	sdelay $0x1  }
0x14d: {  	[tilespmem:v0+s25+$0xFFFFFFE0 ss:$0x1] =	vst.idx.msk $0xffff, v3  }
0x14e: {  	v3 =	vld.idx.msk [tilespmem:v0+s25+$0xFFFFFFF0 ss:$0x1], $0xffff;
	_ =	sdelay $0x4  }
0x14f: {  	v3 =	vadd.f32 v3, v2;
	_ =	sdelay $0x1  }
0x150: {  	[tilespmem:v0+s25+$0xFFFFFFF0 ss:$0x1] =	vst.idx.msk $0xffff, v3  }
0x151: {  	v3 =	vld.idx.msk [tilespmem:v0+s25+$0x0 ss:$0x1], $0xffff;
	_ =	sdelay $0x4  }
0x152: {  	v3 =	vadd.f32 v3, v1;
	_ =	sdelay $0x1  }
0x153: {  	[tilespmem:v0+s25+$0x0 ss:$0x1] =	vst.idx.msk $0xffff, v3  }
0x154: {  	v3 =	vld.idx.msk [tilespmem:v0+s25+$0x10 ss:$0x1], $0xffff;
	_ =	sdelay $0x4  }
0x155: {  	v3 =	vadd.f32 v3, v2;
	_ =	sdelay $0x1  }
0x156: {  	[tilespmem:v0+s25+$0x10 ss:$0x1] =	vst.idx.msk $0xffff, v3  }
0x157: {  	v3 =	vld.idx.msk [tilespmem:v0+s25+$0x20 ss:$0x1], $0xffff;
	_ =	sdelay $0x4  }
0x158: {  	v3 =	vadd.f32 v3, v1;
	_ =	sdelay $0x1  }
0x159: {  	[tilespmem:v0+s25+$0x20 ss:$0x1] =	vst.idx.msk $0xffff, v3  }
0x15a: {  	v3 =	vld.idx.msk [tilespmem:v0+s25+$0x30 ss:$0x1], $0xffff;
	_ =	sdelay $0x4  }
0x15b: {  	v3 =	vadd.f32 v3, v2;
	_ =	sdelay $0x1  }
0x15c: {  	[tilespmem:v0+s25+$0x30 ss:$0x1] =	vst.idx.msk $0xffff, v3  }
0x15d: {  	v3 =	vld.idx.msk [tilespmem:v0+s25+$0x40 ss:$0x1], $0xffff;
	_ =	sdelay $0x4  }
0x15e: {  	v3 =	vadd.f32 v3, v1;
	_ =	sdelay $0x1  }
0x15f: {  	[tilespmem:v0+s25+$0x40 ss:$0x1] =	vst.idx.msk $0xffff, v3  }
0x160: {  	v3 =	vld.idx.msk [tilespmem:v0+s25+$0x50 ss:$0x1], $0xffff;
	_ =	sdelay $0x4  }
0x161: {  	v3 =	vadd.f32 v3, v2;
	_ =	sdelay $0x1  }
0x162: {  	[tilespmem:v0+s25+$0x50 ss:$0x1] =	vst.idx.msk $0xffff, v3  }
0x163: {  	v3 =	vld.idx.msk [tilespmem:v0+s25+$0x60 ss:$0x1], $0xffff;
	_ =	sdelay $0x4  }
0x164: {  	v3 =	vadd.f32 v3, v1;
	_ =	sdelay $0x1  }
0x165: {  	[tilespmem:v0+s25+$0x60 ss:$0x1] =	vst.idx.msk $0xffff, v3  }
0x166: {  	v3 =	vld.idx.msk [tilespmem:v0+s25+$0x70 ss:$0x1], $0xffff;
	_ =	sdelay $0x4  }
0x167: {  	s28 =	simm.s32 $0x800;
	s26 =	simm.s32 $0x400;
	s23 =	sadd.s32 $0xD00, s10;
	v3 =	vadd.f32 v3, v2  }
.LBB2_8:
0x168: {  	p1 =	sne.s32 s28, $0x31C00  }
0x169: {  	[tilespmem:v0+s25+$0x70 ss:$0x1] =	vst.idx.msk $0xffff, v3;
	s25 =	sshra.s32 s26, $0x2;
	s26 =	smov.u32 s28;
	s28 =	sadd.s32 $0x400, s28  }
0x16a: {  	v3 =	vld.idx.msk [tilespmem:v0+s25+$0xFFFFFF80 ss:$0x1], $0xffff;
	_ =	sdelay $0x5  }
0x16b: {  	v3 =	vadd.f32 v3, v1;
	_ =	sdelay $0x1  }
0x16c: {  	[tilespmem:v0+s25+$0xFFFFFF80 ss:$0x1] =	vst.idx.msk $0xffff, v3  }
0x16d: {  	v3 =	vld.idx.msk [tilespmem:v0+s25+$0xFFFFFF90 ss:$0x1], $0xffff;
	_ =	sdelay $0x5  }
0x16e: {  	v3 =	vadd.f32 v3, v2;
	_ =	sdelay $0x1  }
0x16f: {  	[tilespmem:v0+s25+$0xFFFFFF90 ss:$0x1] =	vst.idx.msk $0xffff, v3  }
0x170: {  	v3 =	vld.idx.msk [tilespmem:v0+s25+$0xFFFFFFA0 ss:$0x1], $0xffff;
	_ =	sdelay $0x5  }
0x171: {  	v3 =	vadd.f32 v3, v1;
	_ =	sdelay $0x1  }
0x172: {  	[tilespmem:v0+s25+$0xFFFFFFA0 ss:$0x1] =	vst.idx.msk $0xffff, v3  }
0x173: {  	v3 =	vld.idx.msk [tilespmem:v0+s25+$0xFFFFFFB0 ss:$0x1], $0xffff;
	_ =	sdelay $0x5  }
0x174: {  	v3 =	vadd.f32 v3, v2;
	_ =	sdelay $0x1  }
0x175: {  	[tilespmem:v0+s25+$0xFFFFFFB0 ss:$0x1] =	vst.idx.msk $0xffff, v3  }
0x176: {  	v3 =	vld.idx.msk [tilespmem:v0+s25+$0xFFFFFFC0 ss:$0x1], $0xffff;
	_ =	sdelay $0x5  }
0x177: {  	v3 =	vadd.f32 v3, v1;
	_ =	sdelay $0x1  }
0x178: {  	[tilespmem:v0+s25+$0xFFFFFFC0 ss:$0x1] =	vst.idx.msk $0xffff, v3  }
0x179: {  	v3 =	vld.idx.msk [tilespmem:v0+s25+$0xFFFFFFD0 ss:$0x1], $0xffff;
	_ =	sdelay $0x5  }
0x17a: {  	v3 =	vadd.f32 v3, v2;
	_ =	sdelay $0x1  }
0x17b: {  	[tilespmem:v0+s25+$0xFFFFFFD0 ss:$0x1] =	vst.idx.msk $0xffff, v3  }
0x17c: {  	v3 =	vld.idx.msk [tilespmem:v0+s25+$0xFFFFFFE0 ss:$0x1], $0xffff;
	_ =	sdelay $0x5  }
0x17d: {  	v3 =	vadd.f32 v3, v1;
	_ =	sdelay $0x1  }
0x17e: {  	[tilespmem:v0+s25+$0xFFFFFFE0 ss:$0x1] =	vst.idx.msk $0xffff, v3  }
0x17f: {  	v3 =	vld.idx.msk [tilespmem:v0+s25+$0xFFFFFFF0 ss:$0x1], $0xffff;
	_ =	sdelay $0x5  }
0x180: {  	v3 =	vadd.f32 v3, v2;
	_ =	sdelay $0x1  }
0x181: {  	[tilespmem:v0+s25+$0xFFFFFFF0 ss:$0x1] =	vst.idx.msk $0xffff, v3  }
0x182: {  	v3 =	vld.idx.msk [tilespmem:v0+s25+$0x0 ss:$0x1], $0xffff;
	_ =	sdelay $0x5  }
0x183: {  	v3 =	vadd.f32 v3, v1;
	_ =	sdelay $0x1  }
0x184: {  	[tilespmem:v0+s25+$0x0 ss:$0x1] =	vst.idx.msk $0xffff, v3  }
0x185: {  	v3 =	vld.idx.msk [tilespmem:v0+s25+$0x10 ss:$0x1], $0xffff;
	_ =	sdelay $0x5  }
0x186: {  	v3 =	vadd.f32 v3, v2;
	_ =	sdelay $0x1  }
0x187: {  	[tilespmem:v0+s25+$0x10 ss:$0x1] =	vst.idx.msk $0xffff, v3  }
0x188: {  	v3 =	vld.idx.msk [tilespmem:v0+s25+$0x20 ss:$0x1], $0xffff;
	_ =	sdelay $0x5  }
0x189: {  	v3 =	vadd.f32 v3, v1;
	_ =	sdelay $0x1  }
0x18a: {  	[tilespmem:v0+s25+$0x20 ss:$0x1] =	vst.idx.msk $0xffff, v3  }
0x18b: {  	v3 =	vld.idx.msk [tilespmem:v0+s25+$0x30 ss:$0x1], $0xffff;
	_ =	sdelay $0x5  }
0x18c: {  	v3 =	vadd.f32 v3, v2;
	_ =	sdelay $0x1  }
0x18d: {  	[tilespmem:v0+s25+$0x30 ss:$0x1] =	vst.idx.msk $0xffff, v3  }
0x18e: {  	v3 =	vld.idx.msk [tilespmem:v0+s25+$0x40 ss:$0x1], $0xffff;
	_ =	sdelay $0x5  }
0x18f: {  	v3 =	vadd.f32 v3, v1;
	_ =	sdelay $0x1  }
0x190: {  	[tilespmem:v0+s25+$0x40 ss:$0x1] =	vst.idx.msk $0xffff, v3  }
0x191: {  	v3 =	vld.idx.msk [tilespmem:v0+s25+$0x50 ss:$0x1], $0xffff;
	_ =	sdelay $0x5  }
0x192: {  	v3 =	vadd.f32 v3, v2;
	_ =	sdelay $0x1  }
0x193: {  	[tilespmem:v0+s25+$0x50 ss:$0x1] =	vst.idx.msk $0xffff, v3  }
0x194: {  	v3 =	vld.idx.msk [tilespmem:v0+s25+$0x60 ss:$0x1], $0xffff;
	_ =	sdelay $0x5  }
0x195: {  	v3 =	vadd.f32 v3, v1;
	_ =	sdelay $0x1  }
0x196: {  	[tilespmem:v0+s25+$0x60 ss:$0x1] =	vst.idx.msk $0xffff, v3  }
0x197: {  	v3 =	vld.idx.msk [tilespmem:v0+s25+$0x70 ss:$0x1], $0xffff;
	_ =	sdelay $0x1  }
.Ltmp2:
0x198: {  	(pc) =	sbr.rel @p1 .LBB2_8-.Ltmp2, $2  }
0x199: {  	_ =	sdelay $0x2  }
0x19a: {  	v3 =	vadd.f32 v3, v2  }
0x19b: {  	_ =	sdelay $0x3  }
0x19c: {  	s10 =	sshra.s32 s26, $0x2;
	[tilespmem:v0+s25+$0x70 ss:$0x1] =	vst.idx.msk $0xffff, v3  }
0x19d: {  	v3 =	vld.idx.msk [tilespmem:v0+s10+$0xFFFFFF80 ss:$0x1], $0xffff;
	_ =	sdelay $0x4  }
0x19e: {  	v3 =	vadd.f32 v3, v1;
	_ =	sdelay $0x1  }
0x19f: {  	[tilespmem:v0+s10+$0xFFFFFF80 ss:$0x1] =	vst.idx.msk $0xffff, v3  }
0x1a0: {  	v3 =	vld.idx.msk [tilespmem:v0+s10+$0xFFFFFF90 ss:$0x1], $0xffff;
	_ =	sdelay $0x4  }
0x1a1: {  	v3 =	vadd.f32 v3, v2;
	_ =	sdelay $0x1  }
0x1a2: {  	[tilespmem:v0+s10+$0xFFFFFF90 ss:$0x1] =	vst.idx.msk $0xffff, v3  }
0x1a3: {  	v3 =	vld.idx.msk [tilespmem:v0+s10+$0xFFFFFFA0 ss:$0x1], $0xffff;
	_ =	sdelay $0x4  }
0x1a4: {  	v3 =	vadd.f32 v3, v1;
	_ =	sdelay $0x1  }
0x1a5: {  	[tilespmem:v0+s10+$0xFFFFFFA0 ss:$0x1] =	vst.idx.msk $0xffff, v3  }
0x1a6: {  	v3 =	vld.idx.msk [tilespmem:v0+s10+$0xFFFFFFB0 ss:$0x1], $0xffff;
	_ =	sdelay $0x4  }
0x1a7: {  	v3 =	vadd.f32 v3, v2;
	_ =	sdelay $0x1  }
0x1a8: {  	[tilespmem:v0+s10+$0xFFFFFFB0 ss:$0x1] =	vst.idx.msk $0xffff, v3  }
0x1a9: {  	v3 =	vld.idx.msk [tilespmem:v0+s10+$0xFFFFFFC0 ss:$0x1], $0xffff;
	_ =	sdelay $0x4  }
0x1aa: {  	v3 =	vadd.f32 v3, v1;
	_ =	sdelay $0x1  }
0x1ab: {  	[tilespmem:v0+s10+$0xFFFFFFC0 ss:$0x1] =	vst.idx.msk $0xffff, v3  }
0x1ac: {  	v3 =	vld.idx.msk [tilespmem:v0+s10+$0xFFFFFFD0 ss:$0x1], $0xffff;
	_ =	sdelay $0x4  }
0x1ad: {  	v3 =	vadd.f32 v3, v2;
	_ =	sdelay $0x1  }
0x1ae: {  	[tilespmem:v0+s10+$0xFFFFFFD0 ss:$0x1] =	vst.idx.msk $0xffff, v3  }
0x1af: {  	v3 =	vld.idx.msk [tilespmem:v0+s10+$0xFFFFFFE0 ss:$0x1], $0xffff;
	_ =	sdelay $0x4  }
0x1b0: {  	v3 =	vadd.f32 v3, v1;
	_ =	sdelay $0x1  }
0x1b1: {  	[tilespmem:v0+s10+$0xFFFFFFE0 ss:$0x1] =	vst.idx.msk $0xffff, v3  }
0x1b2: {  	v3 =	vld.idx.msk [tilespmem:v0+s10+$0xFFFFFFF0 ss:$0x1], $0xffff;
	_ =	sdelay $0x4  }
0x1b3: {  	v3 =	vadd.f32 v3, v2;
	_ =	sdelay $0x1  }
0x1b4: {  	[tilespmem:v0+s10+$0xFFFFFFF0 ss:$0x1] =	vst.idx.msk $0xffff, v3  }
0x1b5: {  	v3 =	vld.idx.msk [tilespmem:v0+s10+$0x0 ss:$0x1], $0xffff;
	_ =	sdelay $0x4  }
0x1b6: {  	v3 =	vadd.f32 v3, v1;
	_ =	sdelay $0x1  }
0x1b7: {  	[tilespmem:v0+s10+$0x0 ss:$0x1] =	vst.idx.msk $0xffff, v3  }
0x1b8: {  	v3 =	vld.idx.msk [tilespmem:v0+s10+$0x10 ss:$0x1], $0xffff;
	_ =	sdelay $0x4  }
0x1b9: {  	v3 =	vadd.f32 v3, v2;
	_ =	sdelay $0x1  }
0x1ba: {  	[tilespmem:v0+s10+$0x10 ss:$0x1] =	vst.idx.msk $0xffff, v3  }
0x1bb: {  	v3 =	vld.idx.msk [tilespmem:v0+s10+$0x20 ss:$0x1], $0xffff;
	_ =	sdelay $0x4  }
0x1bc: {  	v3 =	vadd.f32 v3, v1;
	_ =	sdelay $0x1  }
0x1bd: {  	[tilespmem:v0+s10+$0x20 ss:$0x1] =	vst.idx.msk $0xffff, v3  }
0x1be: {  	v3 =	vld.idx.msk [tilespmem:v0+s10+$0x30 ss:$0x1], $0xffff;
	_ =	sdelay $0x4  }
0x1bf: {  	v3 =	vadd.f32 v3, v2;
	_ =	sdelay $0x1  }
0x1c0: {  	[tilespmem:v0+s10+$0x30 ss:$0x1] =	vst.idx.msk $0xffff, v3  }
0x1c1: {  	v3 =	vld.idx.msk [tilespmem:v0+s10+$0x40 ss:$0x1], $0xffff;
	_ =	sdelay $0x4  }
0x1c2: {  	v3 =	vadd.f32 v3, v1;
	_ =	sdelay $0x1  }
0x1c3: {  	[tilespmem:v0+s10+$0x40 ss:$0x1] =	vst.idx.msk $0xffff, v3  }
0x1c4: {  	v3 =	vld.idx.msk [tilespmem:v0+s10+$0x50 ss:$0x1], $0xffff;
	_ =	sdelay $0x4  }
0x1c5: {  	v3 =	vadd.f32 v3, v2;
	_ =	sdelay $0x1  }
0x1c6: {  	[tilespmem:v0+s10+$0x50 ss:$0x1] =	vst.idx.msk $0xffff, v3  }
0x1c7: {  	v3 =	vld.idx.msk [tilespmem:v0+s10+$0x60 ss:$0x1], $0xffff;
	_ =	sdelay $0x4  }
0x1c8: {  	v63 =	vadd.f32 v3, v1;
	_ =	sdelay $0x1  }
0x1c9: {  	[tilespmem:v0+s10+$0x60 ss:$0x1] =	vst.idx.msk $0xffff, v63  }
0x1ca: {  	v1 =	vld.idx.msk [tilespmem:v0+s10+$0x70 ss:$0x1], $0xffff;
	_ =	sdelay $0x4  }
0x1cb: {  	v1 =	vadd.f32 v1, v2;
	_ =	sdelay $0x1  }
0x1cc: {  	s28 =	sadd.s32 $0x0, s24;
	s26 =	sadd.s32 $0x640, s23;
	s25 =	simm.s32 $0x1450;
	[tilespmem:v0+s10+$0x70 ss:$0x1] =	vst.idx.msk $0xffff, v1  }
.LBB2_10:
0x1cd: {  	[hbm4b:s28+s17] =	stream.strided.scatter [tilespmem:s23], [sflag:$0x2], $0x640, s18, s17, $0x38;
	[tilespmem:$0x19D20] =	vst v63  }
0x1ce: {  	s10 =	smov.u32 s25;
	s23 =	smov.u32 s26;
	p1 =	seq.s32 s25, $0x275B0  }
.Ltmp3:
0x1cf: {  	s25 =	sadd.s32 $0x1450, s25;
	(pc) =	sbr.rel @!p1 .LBB2_10-.Ltmp3, $2  }
0x1d0: {  	_ =	sdelay $0x2  }
0x1d1: {  	s26 =	sadd.s32 $0x640, s26;
	s28 =	sadd.s32 s10, s24  }
0x1d2: {  	[hbm4b:s28+s17] =	stream.strided.scatter [tilespmem:s23], [sflag:$0x2], $0x640, s18, s17, $0x38;
	[tilespmem:$0x19D20] =	vst v63  }
0x1d3: {  	p1 =	seq.s32 s22, $0x1A  }
.Ltmp4:
0x1d4: {  	_ = 	snop;
	(pc) =	sbr.rel @!p1 .LBB2_3-.Ltmp4, $2  }
0x1d5: {  	_ =	sdelay $0x2  }
0x1d6: {  	p0 =	por !p0, !p0;
	s24 =	sadd.s32 $0x4, s24;
	s23 =	smov.u32 s22  }
0x1d7: {  	_ =	swait.ge [sflag:s19], $0xC800  }
0x1d8: {  	s20 =	sadd.s32 $0x1, s20;
	s10 =	rddreg [dreg:$0x3]  }
0x1d9: {  	p0 =	sne.s32 s20, s10  }
.Ltmp5:
0x1da: {  	_ = 	snop;
	(pc) =	sbr.rel @p0 .LBB2_1-.Ltmp5, $3  }
0x1db: {  	_ =	sdelay $0x1  }
0x1dc: {  	[sflag:s19] =	ssyncset.done $0x0  }
0x1dd: {  	[sflag:s19] =	ssyncadd.s32 $0xFFFF3800  }
0x1de: {  	_ =	sfence.sel $0x180000  }
0x1df: {  	[bflag:$0x0] =	sbarrier.arrive $0xFFFF  }
0x1e0: {  	_ =	strace $0x9000004A  }
0x1e1: {  	s0 =	stileid.u32;
	[bflag:$0x2] =	sbarrier.arrive $0xFFFF  }
0x1e2: {  	p0 =	sne.s32 s0, $0x0;
	s0 =	rddreg [dreg:$0x2]  }
0x1e3: {  	s0 =	sadd.s32 @!p0 $0x100000, s0  }
0x1e4: {  	[sflag:s0] =	ssyncadd.tile.s32 @!p0 $0x1;
	_ =	shalt  }
.Lfunc_end2:
_tile_overlayer_lowered:
.L_overlay_start_2:
0x1e5: {  	(tag) =	ssettag $0x2  }
0x1e6: {  	s0 =	rddreg [dreg:$0x0];
	s2 =	stileid.u32  }
0x1e7: {  	s1 =	rddreg [dreg:$0x1];
	p0 =	sne.s32 s2, $0x0  }
0x1e8: {  	s3 =	rddreg [dreg:$0x2];
	[bflag:$0x3] =	sbarrier.arrive $0xFFFF;
	s2 =	simm.s32 @!p0 $0x1C04  }
0x1e9: {  	[timem:s3], [sflag:s2] =	dma.local @!p0 [hbm:s0], s1  }
0x1ea: {  	s0 =	simm.s32 @!p0 $0x4  }
0x1eb: {  	_ =	swait.ge @!p0 [sflag:s0], s1  }
0x1ec: {  	s1 =	ssub.s32 @!p0 $0x0, s1;
	[sflag:s0] =	ssyncset.done @!p0 $0x0  }
0x1ed: {  	[sflag:s0] =	ssyncadd.s32 @!p0 s1  }
0x1ee: {  	[bflag:$0x3] =	sbarrier.arrive $0xFFFF  }
0x1ef: {  	_ =	shalt  }

// kernel: sparse-core-data-format-call.1.cloned.1.call-start
scs
called_computation.1_lowered:
.L_overlay_start_0:
0x0: {  	s2 =	sld [smem:$0x3FD9]  }
0x1: {  	s3 =	sld [smem:$0x3FFE];
	_ =	sdelay $0x1  }
0x2: {  	s1 =	srdreg.scid  }
0x3: {  	s0 =	sand.u32 $0x1, s1  }
0x4: {  	s18 =	sshll.u32 s0, $0xA;
	s2 =	sadd.s32 s3, s2  }
0x5: {  	s2 =	sadd.s32 s2, s18  }
0x6: {  	[smem:$0x3FC5] =	sst s2  }
0x7: {  	_ = 	snop  }
0x8: {  	s2 =	sld [smem:$0x3FC8];
	(tm) =	ssettm $0x1  }
0x9: {  	s19 =	sld [smem:$0x3FFB];
	_ =	sdelay $0x3  }
0xa: {  	_ =	strace s19  }
0xb: {  	s3 =	sld [smem:$0x3FFC];
	_ =	sdelay $0x3  }
0xc: {  	_ =	strace s3  }
0xd: {  	s3 =	sld [smem:$0x3FFD];
	_ =	sdelay $0x3  }
0xe: {  	_ =	strace s3  }
0xf: {  	_ =	strace $0x8FFFFFFF  }
0x10: {  	s20 =	sld [smem:$0x3FDB];
	_ =	sdelay $0x1  }
0x11: {  	s4 =	simm.s32 $_scs_section_size  }
0x12: {  	s5 =	simm.s32 $_size__tile_overlayer_lowered;
	s6 =	simm.s32 $_tile_overlayer_lowered  }
0x13: {  	s23 =	simm.s32 $0x1BFF;
	s22 =	sshll.u32 s6, $0x1;
	s3 =	sadd.s32 s4, s20  }
0x14: {  	s7 =	simm.s32 $0x0;
	s21 =	sshll.u32 s5, $0x1;
	s5 =	sadd.s32 s22, s3  }
0x15: {  	[timem:s7], [sflag:s23] =	dma.local [hbm:s5], s21  }
0x16: {  	_ =	swait.ge [sflag:s23], s21  }
0x17: {  	s4 =	ssub.s32 $0x0, s21;
	[sflag:s23] =	ssyncset.done $0x0  }
0x18: {  	[sflag:s23] =	ssyncadd.s32 s4;
	_ =	sdelay $0x1  }
0x19: {  	s24 =	simm.s32 $0x1B8B  }
0x1a: {  	_ =	swait.ge [sflag:s24], $0x1  }
0x1b: {  	[sflag:s24] =	ssyncset.done $0x0  }
0x1c: {  	s26 =	simm.s32 $0x1B8E;
	s25 =	sld [smem:$0x3FFE];
	[sflag:s24] =	ssyncadd.s32 $0xFFFFFFFF  }
0x1d: {  	s27 =	simm.s32 $execute0_lowered;
	[smem:$0x3FD2] =	sst s26  }
0x1e: {  	s5 =	sshll.u32 s27, $0x1;
	_ =	strace $0x80000046;
	[dreg:$0x1] =	wrdreg $0xFFFFFFFF  }
0x1f: {  	s28 =	simm.s32 $_size_execute0_lowered;
	s3 =	sadd.s32 s3, s5;
	[dreg:$0x0] =	wrdreg $0x0  }
0x20: {  	s5 =	sshll.u32 s28, $0x1;
	[dreg:$0x2] =	wrdreg s3  }
0x21: {  	[dreg:$0x3] =	wrdreg s5  }
0x22: {  	[dreg:$0x4] =	wrdreg $0xC0  }
0x23: {  	_ =	task [dreg:s7], $0x5FFFF  }
0x24: {  	[dreg:$0x1] =	wrdreg $0xFFFFFFFF  }
0x25: {  	[dreg:$0x0] =	wrdreg $0x60  }
0x26: {  	[dreg:$0x2] =	wrdreg s2  }
0x27: {  	[dreg:$0x3] =	wrdreg s25  }
0x28: {  	[dreg:$0x4] =	wrdreg $0x9  }
0x29: {  	_ =	task.clear_ibuf [dreg:s7], $0x5FFFF;
	_ =	strace $0x90000046  }
0x2a: {  	s29 =	simm.s32 $0x9;
	_ =	strace $0x80000048  }
0x2b: {  	_ =	swait.ge [sflag:s29], $0x1  }
0x2c: {  	[sflag:s29] =	ssyncadd.s32 $0xFFFFFFFF  }
0x2d: {  	_ =	strace $0x90000048  }
0x2e: {  	_ =	sfence  }
0x2f: {  	s30 =	sld [smem:$0x0];
	_ =	sdelay $0x2  }
0x30: {  	s31 =	sshll.u32 s1, $0xD;
	s1 =	sshrl.u32 s1, $0x2  }
0x31: {  	s3 =	sand.u32 $0x4000, s31;
	s1 =	sadd.s32 s1, s30  }
0x32: {  	s0 =	sor.u32 s3, s0;
	s1 =	sshll.u32 s1, $0x11  }
0x33: {  	s0 =	sor.u32 s1, s0  }
0x34: {  	s0 =	sadd.s32 $0x8F2B, s0  }
0x35: {  	[sflag:s0] =	ssyncadd.remote.s32 $0x1  }
0x36: {  	_ =	sfence.sel $0xFFFF  }
0x37: {  	[dreg:$0x0] =	wrdreg $0xFFFFFFFF;
	(pc) =	sbr.abs _section_cstart, $3  }
0x38: {  	[dreg:$0x1] =	wrdreg $0xFFFFFFFF  }
0x39: {  	_ =	task.clear_ibuf [dreg:s7], $0x2FFFF;
	_ =	strace $0x9FFFFFFF  }
0x3a: {  	(tm) =	ssettm $0x7FFFFFFF  }
0x3b: {  	_ =	shalt  }
tec
execute0_lowered:
.L_overlay_start_1:
0x0: {  	(tag) =	ssettag $0x1  }
0x1: {  	s2 =	rddreg [dreg:$0x0]  }
0x2: {  	s0 =	srdreg.scid;
	s5 =	rddreg [dreg:$0x1]  }
0x3: {  	s31 =	simm.s32 $0x2;
	s16 =	simm.s32 $0x0;
	p0 =	por $0x0, $0x0  }
0x4: {  	s8 =	simm.s32 $0x80;
	s17 =	simm.s32 $0x0;
	s1 =	sshll.u32 s0, $0x4  }
0x5: {  	s18 =	simm.s32 $0x0;
	s0 =	stileid.u32;
	s1 =	sand.u32 $0x10, s1  }
0x6: {  	s9 =	simm.s32 $0x0;
	s10 =	simm.s32 $0x0;
	s1 =	sor.u32 s0, s1  }
0x7: {  	s11 =	simm.s32 $0x0;
	s13 =	simm.s32 $0x0;
	s3 =	sshll.u32 s1, $0x8  }
.Ltmp0:
0x8: {  	s14 =	simm.s32 $0x0;
	s4 =	ssub.s32 $0x18600, s3;
	(pc) =	sbr.rel .LBB1_1-.Ltmp0, $4  }
0x9: {  	s15 =	simm.s32 $0x0;
	s1 =	rddreg [dreg:$0x2];
	s6 =	sshrl.u32 s4, $0xD  }
0xa: {  	_ =	strace $0x80000047;
	s4 =	simm.s32 $0x1;
	s7 =	smul.u32 $0x1A, s6  }
0xb: {  	s5 =	sadd.s32 $0x1000, s5;
	s12 =	smov.u32 s3;
	[sflag:s4] =	ssyncpa.u1 $0x0  }
0xc: {  	[sflag:s31] =	ssyncpa.u1 $0x0;
	s6 =	sadd.s32 $0x1A, s7;
	s7 =	sadd.s32 $0x1B, s7  }
.LBB1_5:
0xd: {  	p1 =	slt.u32 s15, $0x2  }
0xe: {  	s19 =	smov.u32 s18;
	p2 =	sgt.s32 @!p1 s18, $0x19  }
0xf: {  	s20 =	sshra.s32 @!p1 s18, $0x1F;
	p3 =	sgt.s32 @!p1 s16, $0x185A0;
	p4 =	sgt.s32 @!p1 s17, $0x60  }
0x10: {  	s21 =	sshra.s32 @!p1 s17, $0x1F;
	p2 =	por !p2, p1;
	s18 =	sand.u32 @!p1 s20, s18  }
0x11: {  	p4 =	por !p4, p1;
	s20 =	smov.u32 s17;
	s19 =	simm.s32 @p2 $0x19  }
0x12: {  	s17 =	sand.u32 @!p1 s21, s17;
	s20 =	simm.s32 @p4 $0x60;
	s18 =	ssub.s32 @!p1 s19, s18  }
0x13: {  	p3 =	por !p3, p1;
	s17 =	ssub.s32 @!p1 s20, s17;
	s19 =	sadd.s32 @!p1 $0xFFFFFFE7, s18  }
0x14: {  	s20 =	sshra.s32 @!p1 s16, $0x1F;
	s18 =	ssub.s32 @!p1 $0x1A, s18;
	p2 =	sgt.s32 @!p1 s19, $0x0  }
0x15: {  	s19 =	smov.u32 s16;
	s16 =	sand.u32 @!p1 s20, s16;
	s20 =	sadd.s32 @!p1 $0xFFFFFFA0, s17  }
0x16: {  	s17 =	ssub.s32 @!p1 $0x80, s17;
	s19 =	simm.s32 @p3 $0x185A0;
	p2 =	por !p2, p1  }
0x17: {  	s18 =	simm.s32 @!p2 $0x0;
	s16 =	ssub.s32 @!p1 s19, s16;
	p2 =	sgt.s32 @!p1 s20, $0x1F  }
0x18: {  	s20 =	smov.u32 s13;
	s19 =	sadd.s32 @!p1 $0xFFFE7A60, s16;
	p2 =	por !p2, p1  }
0x19: {  	s16 =	ssub.s32 @!p1 $0x186A0, s16;
	s17 =	simm.s32 @!p2 $0x0;
	p2 =	sgt.s32 @!p1 s19, $0xFF  }
0x1a: {  	s19 =	sadd.s32 $0x2000, s12;
	p2 =	por !p2, p1;
	s17 =	smul.u32 @!p1 s18, s17  }
0x1b: {  	s18 =	sadd.s32 $0x20, s13;
	s16 =	simm.s32 @!p2 $0x0;
	p2 =	sgt.s32 s19, $0x1869F  }
0x1c: {  	s16 =	smul.u32 @!p1 s16, s17;
	s20 =	smov.u32 @p2 s18  }
0x1d: {  	s19 =	smov.u32 @p2 s3;
	s17 =	simm.s32 $0x1;
	p2 =	sgt.s32 s20, $0x1F  }
0x1e: {  	s17 =	simm.s32 @!p2 $0x0  }
0x1f: {  	p0 =	por !p0, !p0;
	s23 =	sadd.s32 s17, s14  }
0x20: {  	s21 =	simm.s32 @!p1 $0x2;
	s20 =	simm.s32 @p2 $0x0;
	p2 =	sgt.s32 s23, $0x19  }
0x21: {  	s18 =	smov.u32 s11;
	s23 =	simm.s32 @p2 $0x0;
	p2 =	sne.s32 s15, s7  }
.Ltmp1:
0x22: {  	s11 =	smov.u32 s14;
	s16 =	sand.u32 @!p1 $0x3FFFFFFF, s16;
	(pc) =	sbr.rel @!p2 .LBB1_6-.Ltmp1, $4  }
0x23: {  	_ =	swait.ge @!p1 [sflag:s21], s16;
	s22 =	ssub.s32 @!p1 $0x0, s16;
	s16 =	smov.u32 s9  }
0x24: {  	s17 =	smov.u32 s10;
	s9 =	smov.u32 s12;
	s10 =	smov.u32 s13  }
0x25: {  	s12 =	smov.u32 s19;
	s13 =	smov.u32 s20;
	[sflag:s21] =	ssyncset.done @!p1 $0x0  }
0x26: {  	s15 =	sadd.s32 $0x1, s15;
	[sflag:s21] =	ssyncadd.s32 @!p1 s22;
	s14 =	smov.u32 s23  }
.LBB1_1:
0x27: {  	p1 =	sge.u32 s15, s6  }
0x28: {  	s19 =	sshrl.u32 @!p1 s13, $0x3  }
0x29: {  	s20 =	sshll.u32 @!p1 s12, $0x3;
	s19 =	smul.u32 @!p1 $0xC3800, s19  }
0x2a: {  	s21 =	sshll.u32 @!p1 s13, $0x7;
	s20 =	sand.u32 @!p1 $0xFFFFFC00, s20  }
0x2b: {  	s19 =	sadd.s32 @!p1 s19, s20;
	s20 =	sand.u32 @!p1 $0x380, s21  }
0x2c: {  	s21 =	sand.u32 @!p1 $0x7F, s12;
	s19 =	sor.u32 @!p1 s20, s19  }
0x2d: {  	s20 =	sor.u32 @!p1 s21, s19  }
0x2e: {  	s21 =	smulhi.u32 @!p1 $0xA79C7B17, s20  }
0x2f: {  	s19 =	smulhi.u32 @!p1 $0xA79C7B17, s19  }
0x30: {  	s21 =	sshrl.u32 @!p1 s21, $0x10  }
0x31: {  	s19 =	sshrl.u32 @!p1 s19, $0x10;
	s21 =	smul.u32 @!p1 $0x18700, s21  }
0x32: {  	s22 =	sxor.u32 @!p1 $0xFFFFFFFF, s15;
	s23 =	smul.u32 @!p1 $0x61C00, s14;
	s19 =	sand.u32 @!p1 $0x1F, s19  }
0x33: {  	s22 =	sshll.u32 @!p1 s22, $0xD;
	s19 =	smul.u32 @!p1 $0x30E0, s19;
	s20 =	ssub.s32 @!p1 s20, s21  }
0x34: {  	s21 =	sand.u32 @!p1 $0x2000, s22;
	s22 =	sadd.s32 @!p1 s2, s23;
	s23 =	sand.u32 @!p1 $0x7, s20  }
0x35: {  	s20 =	sshrl.u32 @!p1 s20, $0x3;
	s19 =	sadd.s32 @!p1 s19, s22;
	s22 =	sshll.u32 @!p1 s23, $0x12  }
0x36: {  	s19 =	sadd.s32 @!p1 s20, s19;
	s20 =	sor.u32 @!p1 $0x800, s22;
	s22 =	simm.s32 @!p1 $0xC3800  }
0x37: {  	[tilespmem:s21], [sflag:$0x1] =	stream.strided.gather @!p1 [hbm4b:s19+s20], $0x2000, s22, s20, $0x38;
	[tilespmem:$0x8200] =	vst v63  }
0x38: {  	p1 =	seq.s32 s15, $0x0  }
0x39: {  	p2 =	sge.u32 @!p1 s15, s7  }
0x3a: {  	p1 =	por p1, p2  }
.Ltmp2:
0x3b: {  	_ = 	snop;
	(pc) =	sbr.rel @p1 .LBB1_5-.Ltmp2, $1  }
0x3c: {  	_ =	sdelay $0x3  }
0x3d: {  	s21 =	simm.s32 $0x0  }
0x3e: {  	s22 =	sand.u32 $0x1800, s21;
	s23 =	sand.u32 $0x380, s21  }
0x3f: {  	s19 =	sand.u32 $0x1, s15;
	s23 =	sor.u32 s23, s22  }
0x40: {  	_ =	swait.ge [sflag:s4], $0x2000;
	s20 =	sshll.u32 s19, $0xD;
	s22 =	sand.u32 $0x1B00, s23  }
0x41: {  	[sflag:s4] =	ssyncset.done $0x0;
	s21 =	sand.u32 $0x80, s21;
	s22 =	sadd.s32 s22, s20  }
0x42: {  	[sflag:s4] =	ssyncadd.s32 $0xFFFFE000;
	s25 =	sadd.s32 s21, s22  }
0x43: {  	v4 =	vld [tilespmem:s25+$0x400]  }
0x44: {  	s24 =	simm.s32 $0x1;
	v5 =	vld [tilespmem:s25+$0x0]  }
0x45: {  	s24 =	simm.s32 @!p0 $0x0;
	v6 =	vld [tilespmem:s25+$0x10]  }
0x46: {  	v0 =	vmov s20;
	s31 =	smul.u32 $0x8400, s24;
	v7 =	vld [tilespmem:s25+$0x20]  }
0x47: {  	v9 =	vld [tilespmem:s25+$0x30]  }
0x48: {  	s21 =	sshrl.u32 s31, $0x2;
	v10 =	vld [tilespmem:s25+$0x40]  }
0x49: {  	s21 =	sor.u32 $0x4000, s21;
	v11 =	vld [tilespmem:s25+$0x50]  }
0x4a: {  	v8 =	vld [tilespmem:s25+$0x60];
	s22 =	sadd.s32 $0x0, s21  }
0x4b: {  	v1 =	vld.idx.msk [tilespmem:v0+s23+$0x410 ss:$0x1], $0xffff;
	[tilespmem:s22+$0x1080 ss:$0x21] =	vst.msk $0xffff, v4  }
0x4c: {  	v2 =	vld.idx.msk [tilespmem:v0+s23+$0x420 ss:$0x1], $0xffff;
	[tilespmem:s22+$0x0 ss:$0x21] =	vst.msk $0xffff, v5  }
0x4d: {  	v3 =	vld.idx.msk [tilespmem:v0+s23+$0x430 ss:$0x1], $0xffff;
	[tilespmem:s22+$0x210 ss:$0x21] =	vst.msk $0xffff, v6  }
0x4e: {  	s19 =	smul.u32 $0x8400, s19;
	[tilespmem:s22+$0x420 ss:$0x21] =	vst.msk $0xffff, v7;
	v7 =	vld [tilespmem:s25+$0x70]  }
0x4f: {  	s26 =	simm.s32 $0x80;
	s27 =	simm.s32 $0x8;
	[tilespmem:s22+$0x630 ss:$0x21] =	vst.msk $0xffff, v9;
	v4 =	vld.idx.msk [tilespmem:v0+s23+$0x440 ss:$0x1], $0xffff  }
0x50: {  	s29 =	sand.u32 $0x380, s26;
	s19 =	sshrl.u32 s19, $0x2;
	[tilespmem:s22+$0x840 ss:$0x21] =	vst.msk $0xffff, v10;
	v5 =	vld.idx.msk [tilespmem:v0+s23+$0x450 ss:$0x1], $0xffff;
	s25 =	simm.s32 $0x100  }
0x51: {  	s24 =	simm.s32 $0x4;
	s19 =	sor.u32 $0x4000, s19;
	[tilespmem:s22+$0xA50 ss:$0x21] =	vst.msk $0xffff, v11;
	v6 =	vld.idx.msk [tilespmem:v0+s23+$0x460 ss:$0x1], $0xffff;
	s28 =	sand.u32 $0x1800, s25  }
.LBB1_3:
0x52: {  	p1 =	sne.s32 s27, $0x7C;
	[tilespmem:s22+$0xC60 ss:$0x21] =	vst.msk $0xffff, v8;
	v8 =	vld.idx.msk [tilespmem:v0+s23+$0x470 ss:$0x1], $0xffff;
	s23 =	sor.u32 s29, s28  }
0x53: {  	s28 =	sand.u32 $0x1B00, s23;
	v9 =	vld.idx.msk [tilespmem:v0+s23+$0x410 ss:$0x1], $0xffff;
	[tilespmem:s22+$0xE70 ss:$0x21] =	vst.msk $0xffff, v7  }
0x54: {  	s29 =	sand.u32 $0x80, s26;
	s28 =	sadd.s32 s28, s20;
	v7 =	vld.idx.msk [tilespmem:v0+s23+$0x420 ss:$0x1], $0xffff;
	[tilespmem:s22+$0x1290 ss:$0x21] =	vst.msk $0xffff, v1  }
0x55: {  	s28 =	sadd.s32 s29, s28;
	v10 =	vld.idx.msk [tilespmem:v0+s23+$0x430 ss:$0x1], $0xffff;
	[tilespmem:s22+$0x14A0 ss:$0x21] =	vst.msk $0xffff, v2  }
0x56: {  	v11 =	vld [tilespmem:s28+$0x400];
	[tilespmem:s22+$0x16B0 ss:$0x21] =	vst.msk $0xffff, v3  }
0x57: {  	v12 =	vld [tilespmem:s28+$0x0];
	[tilespmem:s22+$0x18C0 ss:$0x21] =	vst.msk $0xffff, v4  }
0x58: {  	v4 =	vld [tilespmem:s28+$0x10];
	[tilespmem:s22+$0x1AD0 ss:$0x21] =	vst.msk $0xffff, v5  }
0x59: {  	s29 =	sshra.s32 s24, $0x2;
	s24 =	smov.u32 s27;
	v1 =	vmov v9;
	v5 =	vld [tilespmem:s28+$0x20];
	[tilespmem:s22+$0x1CE0 ss:$0x21] =	vst.msk $0xffff, v6  }
0x5a: {  	v2 =	vmov v7;
	v6 =	vld [tilespmem:s28+$0x30];
	[tilespmem:s22+$0x1EF0 ss:$0x21] =	vst.msk $0xffff, v8;
	s22 =	sadd.s32 s29, s21  }
0x5b: {  	v3 =	vmov v10;
	v9 =	vld [tilespmem:s28+$0x40];
	[tilespmem:s22+$0x1080 ss:$0x21] =	vst.msk $0xffff, v11  }
0x5c: {  	[tilespmem:s22+$0x0 ss:$0x21] =	vst.msk $0xffff, v12;
	v10 =	vld [tilespmem:s28+$0x50]  }
.Ltmp3:
0x5d: {  	[tilespmem:s22+$0x210 ss:$0x21] =	vst.msk $0xffff, v4;
	v8 =	vld [tilespmem:s28+$0x60];
	(pc) =	sbr.rel @p1 .LBB1_3-.Ltmp3, $4  }
0x5e: {  	[tilespmem:s22+$0x420 ss:$0x21] =	vst.msk $0xffff, v5;
	v7 =	vld [tilespmem:s28+$0x70]  }
0x5f: {  	[tilespmem:s22+$0x630 ss:$0x21] =	vst.msk $0xffff, v6;
	v4 =	vld.idx.msk [tilespmem:v0+s23+$0x440 ss:$0x1], $0xffff  }
0x60: {  	s26 =	sadd.s32 $0x80, s26;
	s25 =	sadd.s32 $0x100, s25;
	[tilespmem:s22+$0x840 ss:$0x21] =	vst.msk $0xffff, v9;
	v5 =	vld.idx.msk [tilespmem:v0+s23+$0x450 ss:$0x1], $0xffff  }
0x61: {  	s27 =	sadd.s32 $0x4, s27;
	s29 =	sand.u32 $0x380, s26;
	s28 =	sand.u32 $0x1800, s25;
	[tilespmem:s22+$0xA50 ss:$0x21] =	vst.msk $0xffff, v10;
	v6 =	vld.idx.msk [tilespmem:v0+s23+$0x460 ss:$0x1], $0xffff  }
0x62: {  	_ =	sdelay $0x3  }
0x63: {  	s25 =	sor.u32 s29, s28;
	v47 =	vld.idx.msk [tilespmem:v0+s23+$0x470 ss:$0x1], $0xffff  }
0x64: {  	[tilespmem:s22+$0xC60 ss:$0x21] =	vst.msk $0xffff, v8;
	v57 =	vld.idx.msk [tilespmem:v0+s25+$0x410 ss:$0x1], $0xffff  }
0x65: {  	[tilespmem:s22+$0x1290 ss:$0x21] =	vst.msk $0xffff, v1;
	v58 =	vld.idx.msk [tilespmem:v0+s25+$0x420 ss:$0x1], $0xffff  }
0x66: {  	[tilespmem:s22+$0x14A0 ss:$0x21] =	vst.msk $0xffff, v2;
	v59 =	vld.idx.msk [tilespmem:v0+s25+$0x430 ss:$0x1], $0xffff  }
0x67: {  	[tilespmem:s22+$0x16B0 ss:$0x21] =	vst.msk $0xffff, v3;
	v60 =	vld.idx.msk [tilespmem:v0+s25+$0x440 ss:$0x1], $0xffff  }
0x68: {  	s26 =	sand.u32 $0x80, s26;
	s27 =	sand.u32 $0x1B00, s25;
	[tilespmem:s22+$0xE70 ss:$0x21] =	vst.msk $0xffff, v7;
	v61 =	vld.idx.msk [tilespmem:v0+s25+$0x450 ss:$0x1], $0xffff  }
0x69: {  	s29 =	sshll.u32 s10, $0x3;
	s24 =	sshra.s32 s24, $0x2;
	v62 =	vld.idx.msk [tilespmem:v0+s25+$0x460 ss:$0x1], $0xffff;
	s20 =	sadd.s32 s27, s20;
	[tilespmem:s22+$0x18C0 ss:$0x21] =	vst.msk $0xffff, v4  }
0x6a: {  	p1 =	sgt.s32 s11, $0x19;
	s31 =	sand.u32 $0xFFFFFC00, s29;
	v63 =	vld.idx.msk [tilespmem:v0+s25+$0x470 ss:$0x1], $0xffff;
	s23 =	sadd.s32 s26, s20;
	[tilespmem:s22+$0x1AD0 ss:$0x21] =	vst.msk $0xffff, v5  }
0x6b: {  	p2 =	sgt.s32 s10, $0x60;
	s29 =	sshra.s32 s11, $0x1F;
	s25 =	smul.u32 $0x186A00, s11;
	v48 =	vld [tilespmem:s23+$0x400];
	[tilespmem:s22+$0x1CE0 ss:$0x21] =	vst.msk $0xffff, v6  }
0x6c: {  	s26 =	sshll.u32 s9, $0x7;
	s20 =	sadd.s32 s24, s21;
	s24 =	sand.u32 s29, s11;
	v49 =	vld [tilespmem:s23+$0x0];
	[tilespmem:s22+$0x1EF0 ss:$0x21] =	vst.msk $0xffff, v47  }
0x6d: {  	s29 =	sshra.s32 s9, $0x1F;
	v50 =	vld [tilespmem:s23+$0x10];
	s30 =	sand.u32 $0xFFFFFC00, s26;
	s28 =	sand.u32 $0x380, s26;
	[tilespmem:s20+$0x1290 ss:$0x21] =	vst.msk $0xffff, v57  }
0x6e: {  	v51 =	vld [tilespmem:s23+$0x20];
	s27 =	sadd.s32 s31, s30;
	s22 =	smov.u32 s11;
	s31 =	sshra.s32 s10, $0x1F;
	[tilespmem:s20+$0x14A0 ss:$0x21] =	vst.msk $0xffff, v58  }
0x6f: {  	v52 =	vld [tilespmem:s23+$0x30];
	s21 =	sor.u32 s28, s27;
	s22 =	simm.s32 @!p1 $0x19;
	s28 =	sand.u32 s31, s10;
	[tilespmem:s20+$0x16B0 ss:$0x21] =	vst.msk $0xffff, v59  }
0x70: {  	v53 =	vld [tilespmem:s23+$0x40];
	s27 =	smov.u32 s9;
	[tilespmem:s20+$0x18C0 ss:$0x21] =	vst.msk $0xffff, v60;
	s21 =	sshrl.u32 s21, $0x7;
	s22 =	ssub.s32 s22, s24  }
0x71: {  	v54 =	vld [tilespmem:s23+$0x50];
	[tilespmem:s20+$0x1AD0 ss:$0x21] =	vst.msk $0xffff, v61;
	s24 =	smov.u32 s10;
	s26 =	smulhi.u32 $0x14F8B59, s21;
	s30 =	sadd.s32 $0xFFFFFFE7, s22  }
0x72: {  	v55 =	vld [tilespmem:s23+$0x60];
	[tilespmem:s20+$0x1CE0 ss:$0x21] =	vst.msk $0xffff, v62;
	s24 =	simm.s32 @!p2 $0x60;
	p2 =	sgt.s32 s9, $0x185A0;
	s22 =	ssub.s32 $0x1A, s22  }
0x73: {  	v56 =	vld [tilespmem:s23+$0x70];
	[tilespmem:s20+$0x1EF0 ss:$0x21] =	vst.msk $0xffff, v63;
	p1 =	sgt.s32 s30, $0x0;
	s23 =	ssub.s32 s24, s28;
	s27 =	simm.s32 @!p2 $0x185A0  }
0x74: {  	[tilespmem:s20+$0x1080 ss:$0x21] =	vst.msk $0xffff, v48;
	s24 =	sand.u32 s29, s9;
	s28 =	sand.u32 $0x7, s10;
	s26 =	sshrl.u32 s26, $0x9  }
0x75: {  	[tilespmem:s20+$0x0 ss:$0x21] =	vst.msk $0xffff, v49;
	s24 =	ssub.s32 s27, s24;
	s30 =	sadd.s32 $0xFFFFFFA0, s23;
	s22 =	simm.s32 @p1 $0x0  }
0x76: {  	[tilespmem:s20+$0x210 ss:$0x21] =	vst.msk $0xffff, v50;
	s23 =	ssub.s32 $0x80, s23;
	s27 =	sshrl.u32 s10, $0x3;
	p1 =	sgt.s32 s30, $0x1F  }
0x77: {  	[tilespmem:s20+$0x420 ss:$0x21] =	vst.msk $0xffff, v51;
	s26 =	smul.u32 $0x186A0, s26;
	s31 =	sadd.s32 $0xFFFE7A60, s24;
	s23 =	simm.s32 @p1 $0x0  }
0x78: {  	[tilespmem:s20+$0x630 ss:$0x21] =	vst.msk $0xffff, v52;
	s24 =	ssub.s32 $0x186A0, s24;
	p1 =	sgt.s32 s31, $0xFF;
	s22 =	smul.u32 s22, s23  }
.Ltmp4:
0x79: {  	[tilespmem:s20+$0x840 ss:$0x21] =	vst.msk $0xffff, v53;
	s24 =	simm.s32 @p1 $0x0;
	s21 =	ssub.s32 s21, s26;
	(pc) =	sbr.rel .LBB1_5-.Ltmp4, $4  }
0x7a: {  	[tilespmem:s20+$0xA50 ss:$0x21] =	vst.msk $0xffff, v54;
	s23 =	sadd.s32 s5, s25;
	s22 =	smul.u32 s24, s22;
	s24 =	sand.u32 $0xF, s27  }
0x7b: {  	[tilespmem:s20+$0xC60 ss:$0x21] =	vst.msk $0xffff, v55;
	s29 =	sshll.u32 s28, $0x12;
	s21 =	sshll.u32 s21, $0x4;
	s23 =	sadd.s32 s24, s23  }
0x7c: {  	[tilespmem:s20+$0xE70 ss:$0x21] =	vst.msk $0xffff, v56;
	s31 =	sor.u32 $0x20, s29;
	s30 =	sand.u32 $0x3FFFFFFF, s22;
	s21 =	sadd.s32 s21, s23  }
0x7d: {  	[hbm4b:s21+s31] =	stream.strided.scatter [tilespmem:s19], [sflag:$0x2], s30, s8, s31, $0x10;
	[tilespmem:$0x8200] =	vst v63  }
.LBB1_6:
0x7e: {  	_ =	sfence.sel $0x180000  }
0x7f: {  	s2 =	simm.s32 $0x1;
	[bflag:$0x0] =	sbarrier.arrive $0xFFFF  }
0x80: {  	s31 =	simm.s32 $0x2;
	[sflag:s2] =	ssyncpa.u1 $0x1  }
0x81: {  	[sflag:s31] =	ssyncpa.u1 $0x1  }
0x82: {  	p0 =	sne.s32 s0, $0x0;
	_ =	strace $0x90000047  }
0x83: {  	s0 =	sadd.s32 @!p0 $0x100000, s1;
	[bflag:$0x2] =	sbarrier.arrive $0xFFFF  }
0x84: {  	[sflag:s0] =	ssyncadd.tile.s32 @!p0 $0x1;
	_ =	shalt  }
.Lfunc_end1:
_tile_overlayer_lowered:
.L_overlay_start_2:
0x85: {  	(tag) =	ssettag $0x2  }
0x86: {  	s0 =	rddreg [dreg:$0x0];
	s2 =	stileid.u32  }
0x87: {  	s1 =	rddreg [dreg:$0x1];
	p0 =	sne.s32 s2, $0x0  }
0x88: {  	s3 =	rddreg [dreg:$0x2];
	[bflag:$0x3] =	sbarrier.arrive $0xFFFF;
	s2 =	simm.s32 @!p0 $0x1C01  }
0x89: {  	[timem:s3], [sflag:s2] =	dma.local @!p0 [hbm:s0], s1  }
0x8a: {  	s0 =	simm.s32 @!p0 $0x1  }
0x8b: {  	_ =	swait.ge @!p0 [sflag:s0], s1  }
0x8c: {  	s1 =	ssub.s32 @!p0 $0x0, s1;
	[sflag:s0] =	ssyncset.done @!p0 $0x0  }
0x8d: {  	[sflag:s0] =	ssyncadd.s32 @!p0 s1  }
0x8e: {  	[bflag:$0x3] =	sbarrier.arrive $0xFFFF  }
0x8f: {  	_ =	shalt  }

// kernel: sparse-core-data-format-call.cloned.1.call-start
scs
called_computation_lowered:
.L_overlay_start_0:
0x0: {  	s2 =	sld [smem:$0x3FD9]  }
0x1: {  	s3 =	sld [smem:$0x3FFE];
	_ =	sdelay $0x1  }
0x2: {  	s1 =	srdreg.scid  }
0x3: {  	s0 =	sand.u32 $0x1, s1  }
0x4: {  	s18 =	sshll.u32 s0, $0xA;
	s2 =	sadd.s32 s3, s2  }
0x5: {  	s2 =	sadd.s32 s2, s18  }
0x6: {  	[smem:$0x3FC5] =	sst s2  }
0x7: {  	_ = 	snop  }
0x8: {  	s2 =	sld [smem:$0x3FD0];
	(tm) =	ssettm $0x1  }
0x9: {  	s19 =	sld [smem:$0x3FFB];
	_ =	sdelay $0x3  }
0xa: {  	_ =	strace s19  }
0xb: {  	s3 =	sld [smem:$0x3FFC];
	_ =	sdelay $0x3  }
0xc: {  	_ =	strace s3  }
0xd: {  	s3 =	sld [smem:$0x3FFD];
	_ =	sdelay $0x3  }
0xe: {  	_ =	strace s3  }
0xf: {  	_ =	strace $0x8FFFFFFF  }
0x10: {  	s20 =	sld [smem:$0x3FDB];
	_ =	sdelay $0x1  }
0x11: {  	s4 =	simm.s32 $_scs_section_size  }
0x12: {  	s5 =	simm.s32 $_size__tile_overlayer_lowered;
	s6 =	simm.s32 $_tile_overlayer_lowered  }
0x13: {  	s23 =	simm.s32 $0x1BFF;
	s22 =	sshll.u32 s6, $0x1;
	s3 =	sadd.s32 s4, s20  }
0x14: {  	s7 =	simm.s32 $0x0;
	s21 =	sshll.u32 s5, $0x1;
	s5 =	sadd.s32 s22, s3  }
0x15: {  	[timem:s7], [sflag:s23] =	dma.local [hbm:s5], s21  }
0x16: {  	_ =	swait.ge [sflag:s23], s21  }
0x17: {  	s4 =	ssub.s32 $0x0, s21;
	[sflag:s23] =	ssyncset.done $0x0  }
0x18: {  	[sflag:s23] =	ssyncadd.s32 s4;
	_ =	sdelay $0x1  }
0x19: {  	s24 =	simm.s32 $0x1B8B  }
0x1a: {  	_ =	swait.ge [sflag:s24], $0x1  }
0x1b: {  	[sflag:s24] =	ssyncset.done $0x0  }
0x1c: {  	s26 =	simm.s32 $0x1B8E;
	s25 =	sld [smem:$0x3FFE];
	[sflag:s24] =	ssyncadd.s32 $0xFFFFFFFF  }
0x1d: {  	s27 =	simm.s32 $execute0_lowered;
	[smem:$0x3FD2] =	sst s26  }
0x1e: {  	s5 =	sshll.u32 s27, $0x1;
	_ =	strace $0x8000004C;
	[dreg:$0x1] =	wrdreg $0xFFFFFFFF  }
0x1f: {  	s28 =	simm.s32 $_size_execute0_lowered;
	s3 =	sadd.s32 s3, s5;
	[dreg:$0x0] =	wrdreg $0x0  }
0x20: {  	s5 =	sshll.u32 s28, $0x1;
	[dreg:$0x2] =	wrdreg s3  }
0x21: {  	[dreg:$0x3] =	wrdreg s5  }
0x22: {  	[dreg:$0x4] =	wrdreg $0xC0  }
0x23: {  	_ =	task [dreg:s7], $0x5FFFF  }
0x24: {  	[dreg:$0x1] =	wrdreg $0xFFFFFFFF  }
0x25: {  	[dreg:$0x0] =	wrdreg $0x60  }
0x26: {  	[dreg:$0x2] =	wrdreg s25  }
0x27: {  	[dreg:$0x3] =	wrdreg s2  }
0x28: {  	[dreg:$0x4] =	wrdreg $0x9  }
0x29: {  	_ =	task.clear_ibuf [dreg:s7], $0x5FFFF;
	_ =	strace $0x9000004C  }
0x2a: {  	s29 =	simm.s32 $0x9;
	_ =	strace $0x8000004E  }
0x2b: {  	_ =	swait.ge [sflag:s29], $0x1  }
0x2c: {  	[sflag:s29] =	ssyncadd.s32 $0xFFFFFFFF  }
0x2d: {  	_ =	strace $0x9000004E  }
0x2e: {  	_ =	sfence  }
0x2f: {  	s30 =	sld [smem:$0x0];
	_ =	sdelay $0x2  }
0x30: {  	s31 =	sshll.u32 s1, $0xD;
	s1 =	sshrl.u32 s1, $0x2  }
0x31: {  	s3 =	sand.u32 $0x4000, s31;
	s1 =	sadd.s32 s1, s30  }
0x32: {  	s0 =	sor.u32 s3, s0;
	s1 =	sshll.u32 s1, $0x11  }
0x33: {  	s0 =	sor.u32 s1, s0  }
0x34: {  	s0 =	sadd.s32 $0x8F2B, s0  }
0x35: {  	[sflag:s0] =	ssyncadd.remote.s32 $0x1  }
0x36: {  	_ =	sfence.sel $0xFFFF  }
0x37: {  	[dreg:$0x0] =	wrdreg $0xFFFFFFFF;
	(pc) =	sbr.abs _section_cstart, $3  }
0x38: {  	[dreg:$0x1] =	wrdreg $0xFFFFFFFF  }
0x39: {  	_ =	task.clear_ibuf [dreg:s7], $0x2FFFF;
	_ =	strace $0x9FFFFFFF  }
0x3a: {  	(tm) =	ssettm $0x7FFFFFFF  }
0x3b: {  	_ =	shalt  }
tec
execute0_lowered:
.L_overlay_start_1:
0x0: {  	(tag) =	ssettag $0x1  }
0x1: {  	s0 =	stileid.u32  }
0x2: {  	s2 =	srdreg.scid;
	s7 =	rddreg [dreg:$0x0];
	s8 =	simm.s32 $0x2  }
0x3: {  	s17 =	simm.s32 $0x0;
	s9 =	simm.s32 $0x2000;
	s1 =	sshll.u32 s0, $0x7  }
0x4: {  	s3 =	sshll.u32 s0, $0x4;
	s2 =	sshll.u32 s2, $0x8;
	s1 =	sand.u32 $0x380, s1  }
0x5: {  	s19 =	simm.s32 $0x0;
	s2 =	sor.u32 s3, s2;
	s31 =	ssub.s32 $0x400, s1  }
0x6: {  	s18 =	simm.s32 $0x0;
	s2 =	sand.u32 $0x180, s2;
	s4 =	sand.u32 $0x380, s31  }
0x7: {  	s5 =	ssub.s32 $0x300, s2;
	p0 =	sne.s32 s4, $0x0;
	s4 =	simm.s32 $0x1  }
0x8: {  	s3 =	sshrl.u32 s31, $0xA;
	s5 =	sshrl.u32 s5, $0x9;
	s4 =	simm.s32 @!p0 $0x0  }
0x9: {  	s10 =	simm.s32 $0x0;
	s5 =	sadd.s32 $0x1, s5;
	s3 =	sadd.s32 s4, s3  }
0xa: {  	s11 =	simm.s32 $0x0;
	s12 =	simm.s32 $0x0;
	s6 =	smul.u32 s5, s3  }
.Ltmp0:
0xb: {  	s14 =	simm.s32 $0x0;
	s4 =	rddreg [dreg:$0x1];
	(pc) =	sbr.rel .LBB1_1-.Ltmp0, $4  }
0xc: {  	s16 =	simm.s32 $0x0;
	s7 =	sadd.s32 $0x1000, s7;
	s3 =	rddreg [dreg:$0x2]  }
0xd: {  	_ =	strace $0x8000004D;
	s5 =	simm.s32 $0x1;
	s6 =	smul.u32 $0x32, s6  }
0xe: {  	s15 =	smov.u32 s1;
	s13 =	smov.u32 s2;
	[sflag:s5] =	ssyncpa.u1 $0x0  }
0xf: {  	p0 =	por $0x0, $0x0;
	[sflag:s8] =	ssyncpa.u1 $0x0;
	s8 =	sor.u32 $0x1, s6  }
.LBB1_4:
0x10: {  	s25 =	sshll.u32 s10, $0xA;
	s24 =	sshra.s32 s24, $0x2;
	s26 =	sshll.u32 s12, $0x3  }
0x11: {  	p1 =	sgt.s32 s11, $0x31;
	s27 =	smov.u32 s11;
	s28 =	sshra.s32 s11, $0x1F  }
0x12: {  	p2 =	sgt.s32 s12, $0x380;
	s31 =	sshra.s32 s12, $0x1F;
	s25 =	sand.u32 $0xFFFFE000, s25  }
0x13: {  	s26 =	sand.u32 $0xFFFFFC00, s26;
	s27 =	simm.s32 @!p1 $0x31;
	s28 =	sand.u32 s28, s11  }
0x14: {  	[tilespmem:s22+$0x2040 ss:$0x81] =	vst.msk $0xffff, v4;
	s23 =	sadd.s32 s24, s23;
	s29 =	sadd.s32 s26, s25;
	s25 =	ssub.s32 s27, s28  }
0x15: {  	[tilespmem:s22+$0x2850 ss:$0x81] =	vst.msk $0xffff, v3;
	s27 =	smov.u32 s12;
	s28 =	smov.u32 s10;
	s26 =	sand.u32 s31, s12  }
0x16: {  	[tilespmem:s22+$0x3060 ss:$0x81] =	vst.msk $0xffff, v2;
	s24 =	sshrl.u32 s29, $0xA;
	s30 =	sadd.s32 $0xFFFFFFCF, s25;
	s27 =	simm.s32 @!p2 $0x380  }
0x17: {  	v5 =	vld [tilespmem:s21+$0xFFFFFFD0];
	[tilespmem:s22+$0x0 ss:$0x81] =	vst.msk $0xffff, v1;
	p2 =	sgt.s32 s10, $0x2C0;
	s29 =	sshra.s32 s10, $0x1F;
	s22 =	ssub.s32 $0x32, s25  }
0x18: {  	v58 =	vld [tilespmem:s21+$0xFFFFFFE0];
	p1 =	sgt.s32 s30, $0x0;
	s28 =	simm.s32 @!p2 $0x2C0;
	s29 =	sand.u32 s29, s10  }
0x19: {  	v59 =	vld [tilespmem:s21+$0xFFFFFFF0];
	s26 =	ssub.s32 s27, s26;
	s27 =	smulhi.u32 $0x4EC4ED, s24;
	s28 =	ssub.s32 s28, s29  }
0x1a: {  	v60 =	vld [tilespmem:s21+$0x0];
	s30 =	sadd.s32 $0xFFFFFC80, s26;
	s25 =	ssub.s32 $0x400, s26;
	s22 =	simm.s32 @p1 $0x0  }
0x1b: {  	v61 =	vld [tilespmem:s21+$0x10];
	[tilespmem:s23+$0x3870 ss:$0x81] =	vst.msk $0xffff, v0;
	s29 =	sand.u32 $0x78, s12;
	p2 =	sgt.s32 s30, $0x7F;
	s31 =	sadd.s32 $0xFFFFFD40, s28  }
0x1c: {  	v62 =	vld [tilespmem:s21+$0x20];
	[tilespmem:s23+$0x810 ss:$0x81] =	vst.msk $0xffff, v5;
	s27 =	smul.u32 $0x340, s27;
	s30 =	sshll.u32 s10, $0x7;
	s28 =	ssub.s32 $0x340, s28  }
0x1d: {  	v63 =	vld [tilespmem:s21+$0xFFFFFFC0];
	[tilespmem:s23+$0x1020 ss:$0x81] =	vst.msk $0xffff, v58;
	s25 =	simm.s32 @p2 $0x0;
	p1 =	sgt.s32 s31, $0x7F;
	s31 =	smul.u32 $0x1A000, s11  }
0x1e: {  	[tilespmem:s23+$0x1830 ss:$0x81] =	vst.msk $0xffff, v59;
	s21 =	sand.u32 $0x380, s30;
	s22 =	smul.u32 s25, s22;
	s28 =	simm.s32 @p1 $0x0  }
0x1f: {  	[tilespmem:s23+$0x2040 ss:$0x81] =	vst.msk $0xffff, v60;
	s21 =	sor.u32 s29, s21;
	s24 =	ssub.s32 s24, s27;
	s29 =	sand.u32 $0x7, s12  }
0x20: {  	[tilespmem:s23+$0x2850 ss:$0x81] =	vst.msk $0xffff, v61;
	s21 =	sshrl.u32 s21, $0x3;
	s25 =	sadd.s32 s4, s31;
	s22 =	smul.u32 s28, s22  }
0x21: {  	[tilespmem:s23+$0x3060 ss:$0x81] =	vst.msk $0xffff, v62;
	s24 =	sshll.u32 s24, $0x7;
	s30 =	sshll.u32 s29, $0x12;
	s21 =	sadd.s32 s21, s25  }
0x22: {  	[tilespmem:s23+$0x0 ss:$0x81] =	vst.msk $0xffff, v63;
	s31 =	sor.u32 $0x400, s30;
	s21 =	sadd.s32 s24, s21;
	s22 =	sand.u32 $0x3FFFFFFF, s22  }
0x23: {  	[hbm4b:s21+s31] =	stream.strided.scatter [tilespmem:s20], [sflag:$0x2], s22, s9, s31, $0x20;
	[tilespmem:$0x10100] =	vst v63  }
.LBB1_5:
0x24: {  	p1 =	slt.u32 s16, $0x2  }
0x25: {  	p2 =	sgt.s32 @!p1 s19, $0x31  }
0x26: {  	s20 =	smov.u32 s19;
	s21 =	sshra.s32 @!p1 s19, $0x1F;
	p2 =	por !p2, p1  }
0x27: {  	s19 =	sand.u32 @!p1 s21, s19;
	s20 =	simm.s32 @p2 $0x31  }
0x28: {  	p3 =	sgt.s32 @!p1 s17, $0x2C0;
	s19 =	ssub.s32 @!p1 s20, s19  }
0x29: {  	p4 =	sgt.s32 @!p1 s18, $0x380;
	s22 =	sshra.s32 @!p1 s18, $0x1F;
	s20 =	sadd.s32 @!p1 $0xFFFFFFCF, s19  }
0x2a: {  	s21 =	smov.u32 s17;
	p2 =	sgt.s32 @!p1 s20, $0x0;
	s20 =	sshra.s32 @!p1 s17, $0x1F  }
0x2b: {  	p4 =	por !p4, p1;
	s17 =	sand.u32 @!p1 s20, s17;
	s20 =	smov.u32 s18  }
0x2c: {  	p3 =	por !p3, p1;
	s18 =	sand.u32 @!p1 s22, s18;
	s20 =	simm.s32 @p4 $0x380  }
0x2d: {  	s21 =	simm.s32 @p3 $0x2C0;
	s19 =	ssub.s32 @!p1 $0x32, s19;
	s18 =	ssub.s32 @!p1 s20, s18  }
0x2e: {  	p2 =	por !p2, p1;
	s17 =	ssub.s32 @!p1 s21, s17;
	s21 =	sadd.s32 @!p1 $0xFFFFFC80, s18  }
0x2f: {  	s19 =	simm.s32 @!p2 $0x0;
	p3 =	sgt.s32 @!p1 s21, $0x7F  }
0x30: {  	s20 =	sadd.s32 @!p1 $0xFFFFFD40, s17;
	s18 =	ssub.s32 @!p1 $0x400, s18;
	p3 =	por !p3, p1  }
0x31: {  	p2 =	sgt.s32 @!p1 s20, $0x7F;
	s20 =	sadd.s32 $0x200, s13;
	s18 =	simm.s32 @!p3 $0x0  }
0x32: {  	p3 =	sgt.s32 s20, $0x33F;
	s18 =	smul.u32 @!p1 s18, s19;
	s19 =	simm.s32 $0x1  }
0x33: {  	s17 =	ssub.s32 @!p1 $0x340, s17;
	p2 =	por !p2, p1;
	s19 =	simm.s32 @!p3 $0x0  }
0x34: {  	s22 =	smov.u32 s15;
	s17 =	simm.s32 @!p2 $0x0;
	s21 =	sadd.s32 s19, s14  }
0x35: {  	s17 =	smul.u32 @!p1 s17, s18;
	s18 =	sadd.s32 $0x400, s15;
	p2 =	sgt.s32 s21, $0x31  }
0x36: {  	p0 =	por !p0, !p0;
	s23 =	simm.s32 @!p1 $0x2;
	s22 =	smov.u32 @p2 s18  }
0x37: {  	s20 =	smov.u32 @p3 s2;
	s21 =	simm.s32 @p2 $0x0;
	p2 =	sgt.s32 s22, $0x3FF  }
0x38: {  	s19 =	smov.u32 s11;
	s22 =	smov.u32 @p2 s1;
	p2 =	sne.s32 s16, s8  }
.Ltmp1:
0x39: {  	s11 =	smov.u32 s14;
	s17 =	sand.u32 @!p1 $0x3FFFFFFF, s17;
	(pc) =	sbr.rel @!p2 .LBB1_6-.Ltmp1, $4  }
0x3a: {  	s18 =	smov.u32 s12;
	s12 =	smov.u32 s15;
	_ =	swait.ge @!p1 [sflag:s23], s17  }
0x3b: {  	s24 =	ssub.s32 @!p1 $0x0, s17;
	s17 =	smov.u32 s10;
	s10 =	smov.u32 s13  }
0x3c: {  	s13 =	smov.u32 s20;
	s14 =	smov.u32 s21;
	[sflag:s23] =	ssyncset.done @!p1 $0x0  }
0x3d: {  	s16 =	sadd.s32 $0x1, s16;
	[sflag:s23] =	ssyncadd.s32 @!p1 s24;
	s15 =	smov.u32 s22  }
.LBB1_1:
0x3e: {  	p1 =	sge.u32 s16, s6  }
0x3f: {  	s20 =	sshrl.u32 @!p1 s14, $0x3  }
0x40: {  	s21 =	sshll.u32 @!p1 s13, $0x3;
	s20 =	smul.u32 @!p1 $0x1C00, s20  }
0x41: {  	s22 =	sshll.u32 @!p1 s14, $0x7;
	s21 =	sand.u32 @!p1 $0xFFFFFC00, s21  }
0x42: {  	s20 =	sadd.s32 @!p1 s20, s21;
	s21 =	sand.u32 @!p1 $0x380, s22  }
0x43: {  	s20 =	sor.u32 @!p1 s21, s20  }
0x44: {  	s21 =	sshrl.u32 @!p1 s20, $0x7  }
0x45: {  	s21 =	smulhi.u32 @!p1 $0x24924925, s21;
	_ =	sdelay $0x1  }
0x46: {  	s22 =	smulhi.u32 @!p1 $0x4924925, s21;
	_ =	sdelay $0x1  }
0x47: {  	s23 =	sand.u32 @!p1 $0x7F, s13;
	s22 =	smul.u32 @!p1 $0x38, s22  }
0x48: {  	s31 =	sadd.s32 $0xFFFFFFFF, s16;
	s20 =	sor.u32 @!p1 s23, s20;
	s23 =	smul.u32 @!p1 $0x380, s21  }
0x49: {  	s24 =	sxor.u32 @!p1 $0xFFFFFFFF, s16;
	s21 =	ssub.s32 @!p1 s21, s22;
	s22 =	smul.u32 @!p1 $0x1880, s15  }
0x4a: {  	s24 =	sshll.u32 @!p1 s24, $0xE;
	s20 =	ssub.s32 @!p1 s20, s23;
	s21 =	smul.u32 @!p1 $0x70, s21  }
0x4b: {  	s23 =	sand.u32 @!p1 $0x4000, s24;
	s24 =	sand.u32 @!p1 $0x7, s20;
	s22 =	sadd.s32 @!p1 s7, s22  }
0x4c: {  	s20 =	sshrl.u32 @!p1 s20, $0x3;
	s21 =	sadd.s32 @!p1 s21, s22;
	s22 =	sshll.u32 @!p1 s24, $0x12  }
0x4d: {  	s20 =	sadd.s32 @!p1 s20, s21;
	s21 =	sor.u32 @!p1 $0x80, s22;
	s22 =	simm.s32 @!p1 $0xC400  }
0x4e: {  	[tilespmem:s23], [sflag:$0x1] =	stream.strided.gather @!p1 [hbm4b:s20+s21], $0x4000, s22, s21, $0x38;
	[tilespmem:$0x10100] =	vst v63  }
0x4f: {  	p1 =	sge.u32 s31, s6  }
.Ltmp2:
0x50: {  	_ = 	snop;
	(pc) =	sbr.rel @p1 .LBB1_5-.Ltmp2, $1  }
0x51: {  	_ =	sdelay $0x3  }
0x52: {  	s20 =	simm.s32 $0x1  }
0x53: {  	_ =	swait.ge [sflag:s5], $0x4000;
	s20 =	simm.s32 @!p0 $0x0  }
0x54: {  	[sflag:s5] =	ssyncset.done $0x0;
	s21 =	sshll.u32 s20, $0xE  }
0x55: {  	[sflag:s5] =	ssyncadd.s32 $0xFFFFC000;
	s21 =	sor.u32 $0x40, s21  }
0x56: {  	s20 =	smul.u32 $0x10200, s20;
	v0 =	vld [tilespmem:s21+$0x30]  }
0x57: {  	v1 =	vld [tilespmem:s21+$0xFFFFFFD0]  }
0x58: {  	s20 =	sshrl.u32 s20, $0x2;
	v5 =	vld [tilespmem:s21+$0xFFFFFFE0]  }
0x59: {  	v6 =	vld [tilespmem:s21+$0xFFFFFFF0];
	s23 =	sor.u32 $0x8000, s20  }
0x5a: {  	s31 =	sand.u32 $0x1, s16;
	v4 =	vld [tilespmem:s21+$0x0];
	s22 =	sadd.s32 $0x0, s23  }
0x5b: {  	v3 =	vld [tilespmem:s21+$0x10];
	s20 =	smul.u32 $0x10200, s31;
	[tilespmem:s22+$0x3870 ss:$0x81] =	vst.msk $0xffff, v0  }
0x5c: {  	v2 =	vld [tilespmem:s21+$0x20];
	[tilespmem:s22+$0x810 ss:$0x81] =	vst.msk $0xffff, v1  }
0x5d: {  	s20 =	sshrl.u32 s20, $0x2;
	v1 =	vld [tilespmem:s21+$0xFFFFFFC0];
	[tilespmem:s22+$0x1020 ss:$0x81] =	vst.msk $0xffff, v5;
	s21 =	sadd.s32 $0x80, s21  }
0x5e: {  	s24 =	simm.s32 $0x4;
	s25 =	simm.s32 $0x8;
	s20 =	sor.u32 $0x8000, s20;
	[tilespmem:s22+$0x1830 ss:$0x81] =	vst.msk $0xffff, v6;
	v0 =	vld [tilespmem:s21+$0x30]  }
.LBB1_3:
0x5f: {  	p1 =	sne.s32 s25, $0x1FC;
	v5 =	vld [tilespmem:s21+$0xFFFFFFD0];
	[tilespmem:s22+$0x2040 ss:$0x81] =	vst.msk $0xffff, v4  }
0x60: {  	v6 =	vld [tilespmem:s21+$0xFFFFFFE0];
	[tilespmem:s22+$0x2850 ss:$0x81] =	vst.msk $0xffff, v3  }
0x61: {  	s26 =	sshra.s32 s24, $0x2;
	s24 =	smov.u32 s25;
	v7 =	vld [tilespmem:s21+$0xFFFFFFF0];
	[tilespmem:s22+$0x3060 ss:$0x81] =	vst.msk $0xffff, v2  }
.Ltmp3:
0x62: {  	v4 =	vld [tilespmem:s21+$0x0];
	[tilespmem:s22+$0x0 ss:$0x81] =	vst.msk $0xffff, v1;
	s22 =	sadd.s32 s26, s23;
	(pc) =	sbr.rel @p1 .LBB1_3-.Ltmp3, $4  }
0x63: {  	v3 =	vld [tilespmem:s21+$0x10];
	[tilespmem:s22+$0x3870 ss:$0x81] =	vst.msk $0xffff, v0  }
0x64: {  	[tilespmem:s22+$0x810 ss:$0x81] =	vst.msk $0xffff, v5;
	v2 =	vld [tilespmem:s21+$0x20]  }
0x65: {  	v1 =	vld [tilespmem:s21+$0xFFFFFFC0];
	[tilespmem:s22+$0x1020 ss:$0x81] =	vst.msk $0xffff, v6;
	s21 =	sadd.s32 $0x80, s21  }
0x66: {  	s25 =	sadd.s32 $0x4, s25;
	v0 =	vld [tilespmem:s21+$0x30];
	[tilespmem:s22+$0x1830 ss:$0x81] =	vst.msk $0xffff, v7  }
.Ltmp4:
0x67: {  	_ = 	snop;
	(pc) =	sbr.rel .LBB1_4-.Ltmp4, $1  }
0x68: {  	_ =	sdelay $0x3  }
.LBB1_6:
0x69: {  	_ =	sfence.sel $0x180000  }
0x6a: {  	s1 =	simm.s32 $0x1;
	[bflag:$0x0] =	sbarrier.arrive $0xFFFF  }
0x6b: {  	s31 =	simm.s32 $0x2;
	[sflag:s1] =	ssyncpa.u1 $0x1  }
0x6c: {  	[sflag:s31] =	ssyncpa.u1 $0x1  }
0x6d: {  	p0 =	sne.s32 s0, $0x0;
	_ =	strace $0x9000004D  }
0x6e: {  	s0 =	sadd.s32 @!p0 $0x100000, s3;
	[bflag:$0x2] =	sbarrier.arrive $0xFFFF  }
0x6f: {  	[sflag:s0] =	ssyncadd.tile.s32 @!p0 $0x1;
	_ =	shalt  }
.Lfunc_end1:
_tile_overlayer_lowered:
.L_overlay_start_2:
0x70: {  	(tag) =	ssettag $0x2  }
0x71: {  	s0 =	rddreg [dreg:$0x0];
	s2 =	stileid.u32  }
0x72: {  	s1 =	rddreg [dreg:$0x1];
	p0 =	sne.s32 s2, $0x0  }
0x73: {  	s3 =	rddreg [dreg:$0x2];
	[bflag:$0x3] =	sbarrier.arrive $0xFFFF;
	s2 =	simm.s32 @!p0 $0x1C01  }
0x74: {  	[timem:s3], [sflag:s2] =	dma.local @!p0 [hbm:s0], s1  }
0x75: {  	s0 =	simm.s32 @!p0 $0x1  }
0x76: {  	_ =	swait.ge @!p0 [sflag:s0], s1  }
0x77: {  	s1 =	ssub.s32 @!p0 $0x0, s1;
	[sflag:s0] =	ssyncset.done @!p0 $0x0  }
0x78: {  	[sflag:s0] =	ssyncadd.s32 @!p0 s1  }
0x79: {  	[bflag:$0x3] =	sbarrier.arrive $0xFFFF  }
0x7a: {  	_ =	shalt  }

</sc_bundles>
